<compile_context>
chip_gen: v7x
topology: tpu7x:2x2x1
jax: 0.10.2.dev20260603
libtpu: 0.0.44.dev20260713+nightly
codegen_flags: <defaults>
</compile_context>

<pallas_src>
import jax
import jax.numpy as jnp
from jax import lax
from jax.experimental import pallas as pl
from jax.experimental.pallas import tpu as pltpu
from jax.experimental.pallas import tpu_sc as plsc

B, N, F, H = 256, 128, 9, 768
L = 16
K = F + 2
G = 8
NC, NS = 2, 16
NW = NC * NS
GPW = B // NW
NPW = GPW * N
STEPS = NPW // G
CPG = N // G
NP1 = N + 1
W2 = H // 2
JW = W2 // L
HIMASK = -65536


def _sc_body(idx_hbm, tab_hbm, gt_hbm, out_hbm,
             idx_v, rows_v, obuf_v, gt_v,
             sem_g0, sem_g1, sem_o0, sem_o1, sem_h0, sem_h1):
    wid = lax.axis_index("s") * NC + lax.axis_index("c")
    sem_g = (sem_g0, sem_g1)
    sem_h = (sem_h0, sem_h1)
    HALF = 48
    REST = G * K - HALF

    pltpu.sync_copy(gt_hbm, gt_v)
    pltpu.sync_copy(idx_hbm.at[pl.ds(wid * NPW * K, NPW * K)], idx_v)
    for gi in range(GPW):
        b = wid * GPW + gi
        pltpu.sync_copy(gt_v, out_hbm.at[pl.ds(b * NP1 * H, H)])

    def gather(s, slot):
        pltpu.async_copy(
            tab_hbm.at[idx_v.at[pl.ds(s * G * K, HALF)]],
            rows_v.at[slot, pl.ds(0, HALF)], sem_g[slot])
        pltpu.async_copy(
            tab_hbm.at[idx_v.at[pl.ds(s * G * K + HALF, REST)]],
            rows_v.at[slot, pl.ds(HALF, REST)], sem_h[slot])

    def gwait(slot):
        pltpu.make_async_copy(
            tab_hbm.at[idx_v.at[pl.ds(0, HALF)]],
            rows_v.at[slot, pl.ds(0, HALF)], sem_g[slot]).wait()
        pltpu.make_async_copy(
            tab_hbm.at[idx_v.at[pl.ds(0, REST)]],
            rows_v.at[slot, pl.ds(HALF, REST)], sem_h[slot]).wait()

    def out_slice(s):
        orow = (wid * GPW + s // CPG) * NP1 + 1 + (s % CPG) * G
        return out_hbm.at[pl.ds(orow * H, G * H)]

    def f32view(v):
        return lax.bitcast_convert_type(v, jnp.float32)

    def compute(slot):
        def col_body(j, carry):
            off = j * L
            for g in range(G):
                r = g * K
                w = rows_v[slot, r, pl.ds(off, L)]
                acc_lo = f32view(w << 16)
                acc_hi = f32view(w)
                for f in range(1, K):
                    w = rows_v[slot, r + f, pl.ds(off, L)]
                    acc_lo = acc_lo + f32view(w << 16)
                    acc_hi = acc_hi + f32view(w)
                obuf_v[slot, pl.ds(g * H + off, L)] = acc_lo
                obuf_v[slot, pl.ds(g * H + W2 + off, L)] = acc_hi
            return carry
        pass

    gather(0, 0)
    gwait(0)

    def pair_body(p, carry):
        s0 = 2 * p
        gather(s0 + 1, 1)


        @pl.when(s0 + 2 < STEPS)
        def _():
            gather(s0 + 2, 0)
        gwait(1)


        @pl.when(s0 + 2 < STEPS)
        def _():
            gwait(0)
        return carry

    lax.fori_loop(0, STEPS // 2, pair_body, 0)
    pltpu.async_copy(obuf_v.at[0], out_slice(STEPS - 2), sem_o0).wait()
    pltpu.async_copy(obuf_v.at[1], out_slice(STEPS - 1), sem_o1).wait()


def kernel(x, in_degree, out_degree, atom_table, in_degree_table,
           out_degree_table, graph_token, token_init):
    del token_init
    na = atom_table.shape[0]
    ni = in_degree_table.shape[0]

    tab = jnp.concatenate([atom_table, in_degree_table, out_degree_table],
                          axis=0)
    lo = lax.bitcast_convert_type(tab[:, :W2].astype(jnp.bfloat16),
                                  jnp.uint16).astype(jnp.int32)
    hi = lax.bitcast_convert_type(
        (tab[:, W2:] * (1.0 / (1.0 + 2.0 ** -8))).astype(jnp.bfloat16),
        jnp.uint16).astype(jnp.int32)
    tab_pk = lo | (hi << 16)

    idx = jnp.concatenate(
        [x,
         in_degree[..., None] + na,
         out_degree[..., None] + (na + ni)],
        axis=-1).reshape(-1)
    gt_flat = graph_token.reshape(-1)
    mesh = plsc.VectorSubcoreMesh(core_axis_name="c", subcore_axis_name="s")
    k = pl.kernel(
        _sc_body,
        out_type=jax.ShapeDtypeStruct((B * NP1 * H,), jnp.float32),
        mesh=mesh,
        scratch_types=[
            pltpu.VMEM((NPW * K,), jnp.int32),
            pltpu.VMEM((2, G * K, W2), jnp.int32),
            pltpu.VMEM((2, G * H), jnp.float32),
            pltpu.VMEM((H,), jnp.float32),
            pltpu.SemaphoreType.DMA,
            pltpu.SemaphoreType.DMA,
            pltpu.SemaphoreType.DMA,
            pltpu.SemaphoreType.DMA,
            pltpu.SemaphoreType.DMA,
            pltpu.SemaphoreType.DMA,
        ],
    )
    out_flat = k(idx, tab_pk, gt_flat)
    return out_flat.reshape(B, NP1, H)

# --- scband reference (transcript-rebuilt; emitter-appended) ---
"""Pipeline reference for scband-graph-node-feature-88218628260184 (READ-ONLY COPY).

The authoritative reference and input builder live on the scoring server;
editing this copy changes nothing except your own understanding.
"""

import jax, jax.numpy as jnp
import numpy as np

B, N, F, H = 256, 128, 9, 768
NUM_ATOMS, NUM_IN, NUM_OUT = 4608, 512, 512


def setup_inputs(seed: int = 0) -> dict:
    key = jax.random.key(seed)
    ks = jax.random.split(key, 8)
    x = jax.random.randint(ks[0], (B, N, F), 0, NUM_ATOMS + 1, dtype=jnp.int32)
    in_degree = jax.random.randint(ks[1], (B, N), 0, NUM_IN, dtype=jnp.int32)
    out_degree = jax.random.randint(ks[2], (B, N), 0, NUM_OUT, dtype=jnp.int32)
    atom_table = 0.02 * jax.random.normal(ks[3], (NUM_ATOMS + 1, H), dtype=jnp.float32)
    atom_table = atom_table.at[0].set(0.0)  # padding_idx=0
    in_degree_table = 0.02 * jax.random.normal(ks[4], (NUM_IN, H), dtype=jnp.float32)
    in_degree_table = in_degree_table.at[0].set(0.0)  # padding_idx=0
    out_degree_table = 0.02 * jax.random.normal(ks[5], (NUM_OUT, H), dtype=jnp.float32)
    out_degree_table = out_degree_table.at[0].set(0.0)  # padding_idx=0
    graph_token = 0.02 * jax.random.normal(ks[6], (1, H), dtype=jnp.float32)
    token_init = jnp.zeros((1, 1), dtype=jnp.int32)
    return {
        "x": x,
        "in_degree": in_degree,
        "out_degree": out_degree,
        "atom_table": atom_table,
        "in_degree_table": in_degree_table,
        "out_degree_table": out_degree_table,
        "graph_token": graph_token,
        "token_init": token_init,
    }


def reference(x, in_degree, out_degree, atom_table, in_degree_table, out_degree_table, graph_token, token_init):
    n_graph = x.shape[0]
    # node_feature = atom_encoder(x).sum(dim=-2)
    node_feature = jnp.take(atom_table, x, axis=0).sum(axis=-2)  # [B, N, H]
    # centrality encoding
    node_feature = node_feature + jnp.take(in_degree_table, in_degree, axis=0) + jnp.take(out_degree_table, out_degree, axis=0)
    # graph token: graph_token(token_init).repeat(n_graph, 1, 1)
    graph_token_feature = jnp.take(graph_token, token_init, axis=0)  # [1, 1, H]
    graph_token_feature = jnp.tile(graph_token_feature, (n_graph, 1, 1))  # [B, 1, H]
    graph_node_feature = jnp.concatenate([graph_token_feature, node_feature], axis=1)  # [B, N+1, H]
    return graph_node_feature

if __name__ == "__main__":
    import jax
    _d = setup_inputs()
    print(jax.jit(kernel)(*tuple(_d.values())))

</pallas_src>

<mosaic_0001>
#map = affine_map<(d0, d1) -> (0)>
#map1 = affine_map<(d0, d1) -> (0, 0)>
module attributes {stable_mosaic.version = 14 : i64} {
  func.func @_sc_body(%arg0: i32, %arg1: i32, %arg2: memref<360448xi32, #tpu.memory_space<hbm>>, %arg3: memref<5633x384xi32, #tpu.memory_space<hbm>>, %arg4: memref<768xf32, #tpu.memory_space<hbm>>, %arg5: memref<25362432xf32, #tpu.memory_space<hbm>>, %arg6: memref<11264xi32, #tpu.memory_space<vmem>>, %arg7: memref<2x88x384xi32, #tpu.memory_space<vmem>>, %arg8: memref<2x6144xf32, #tpu.memory_space<vmem>>, %arg9: memref<768xf32, #tpu.memory_space<vmem>>, %arg10: memref<!tpu.dma_semaphore, #tpu.memory_space<semaphore_mem>>, %arg11: memref<!tpu.dma_semaphore, #tpu.memory_space<semaphore_mem>>, %arg12: memref<!tpu.dma_semaphore, #tpu.memory_space<semaphore_mem>>, %arg13: memref<!tpu.dma_semaphore, #tpu.memory_space<semaphore_mem>>, %arg14: memref<!tpu.dma_semaphore, #tpu.memory_space<semaphore_mem>>, %arg15: memref<!tpu.dma_semaphore, #tpu.memory_space<semaphore_mem>>) attributes {dimension_semantics = [#tpu.dimension_semantics<core_parallel>, #tpu.dimension_semantics<subcore_parallel>], iteration_bounds = array<i64: 2, 16>, scalar_prefetch = 0 : i64, scratch_operands = 10 : i64, tpu.core_type = #tpu.core_type<sc_vector_subcore>, window_params = [{transform_indices = #map}, {transform_indices = #map1}, {transform_indices = #map}, {transform_indices = #map}]} {
    %mul3A = arith.constant 2 : i32
    %mul3A_0 = arith.muli %arg1, %mul3A : i32
    %add3A = arith.addi %mul3A_0, %arg0 : i32
    "tpu.region"() ({
      %run_scoped3A = tpu.sem_alloc : memref<!tpu.dma_semaphore, #tpu.memory_space<semaphore_mem>>
      tpu.enqueue_dma source(%arg4 : memref<768xf32, #tpu.memory_space<hbm>>) target(%arg9 : memref<768xf32, #tpu.memory_space<vmem>>) target_semaphore(%run_scoped3A : memref<!tpu.dma_semaphore, #tpu.memory_space<semaphore_mem>>)
      tpu.wait_dma2 semaphore(%run_scoped3A : memref<!tpu.dma_semaphore, #tpu.memory_space<semaphore_mem>>) src(%arg4 : memref<768xf32, #tpu.memory_space<hbm>>) dst(%arg9 : memref<768xf32, #tpu.memory_space<vmem>>)
      tpu.yield
    }) : () -> ()
    %mul3A_1 = arith.constant 1024 : i32
    %mul3A_2 = arith.muli %add3A, %mul3A_1 : i32
    %mul3A_3 = arith.constant 11 : i32
    %mul3A_4 = arith.muli %mul3A_2, %mul3A_3 : i32
    "tpu.region"() ({
      %run_scoped3A = tpu.sem_alloc : memref<!tpu.dma_semaphore, #tpu.memory_space<semaphore_mem>>
      %dma_start3A_172 = tpu.memref_slice %arg2[%mul3A_4] : memref<360448xi32, #tpu.memory_space<hbm>> -> memref<11264xi32, #tpu.memory_space<hbm>>
      %dma_start3A_173 = tpu.memref_slice %arg2[%mul3A_4] : memref<360448xi32, #tpu.memory_space<hbm>> -> memref<11264xi32, #tpu.memory_space<hbm>>
      tpu.enqueue_dma source(%dma_start3A_173 : memref<11264xi32, #tpu.memory_space<hbm>>) target(%arg6 : memref<11264xi32, #tpu.memory_space<vmem>>) target_semaphore(%run_scoped3A : memref<!tpu.dma_semaphore, #tpu.memory_space<semaphore_mem>>)
      %dma_wait3A_174 = tpu.memref_slice %arg2[%mul3A_4] : memref<360448xi32, #tpu.memory_space<hbm>> -> memref<11264xi32, #tpu.memory_space<hbm>>
      %dma_wait3A_175 = tpu.memref_slice %arg2[%mul3A_4] : memref<360448xi32, #tpu.memory_space<hbm>> -> memref<11264xi32, #tpu.memory_space<hbm>>
      tpu.wait_dma2 semaphore(%run_scoped3A : memref<!tpu.dma_semaphore, #tpu.memory_space<semaphore_mem>>) src(%dma_wait3A_175 : memref<11264xi32, #tpu.memory_space<hbm>>) dst(%arg6 : memref<11264xi32, #tpu.memory_space<vmem>>)
      tpu.yield
    }) : () -> ()
    %mul3A_5 = arith.constant 8 : i32
    %mul3A_6 = arith.muli %add3A, %mul3A_5 : i32
    %add3A_7 = arith.constant 0 : i32
    %add3A_8 = arith.addi %mul3A_6, %add3A_7 : i32
    %mul3A_9 = arith.constant 129 : i32
    %mul3A_10 = arith.muli %add3A_8, %mul3A_9 : i32
    %mul3A_11 = arith.constant 768 : i32
    %mul3A_12 = arith.muli %mul3A_10, %mul3A_11 : i32
    "tpu.region"() ({
      %run_scoped3A = tpu.sem_alloc : memref<!tpu.dma_semaphore, #tpu.memory_space<semaphore_mem>>
      %dma_start3A_172 = tpu.memref_slice %arg5[%mul3A_12] : memref<25362432xf32, #tpu.memory_space<hbm>> -> memref<768xf32, #tpu.memory_space<hbm>>
      %dma_start3A_173 = tpu.memref_slice %arg5[%mul3A_12] : memref<25362432xf32, #tpu.memory_space<hbm>> -> memref<768xf32, #tpu.memory_space<hbm>>
      tpu.enqueue_dma source(%arg9 : memref<768xf32, #tpu.memory_space<vmem>>) target(%dma_start3A_173 : memref<768xf32, #tpu.memory_space<hbm>>) target_semaphore(%run_scoped3A : memref<!tpu.dma_semaphore, #tpu.memory_space<semaphore_mem>>)
      %dma_wait3A_174 = tpu.memref_slice %arg5[%mul3A_12] : memref<25362432xf32, #tpu.memory_space<hbm>> -> memref<768xf32, #tpu.memory_space<hbm>>
      %dma_wait3A_175 = tpu.memref_slice %arg5[%mul3A_12] : memref<25362432xf32, #tpu.memory_space<hbm>> -> memref<768xf32, #tpu.memory_space<hbm>>
      tpu.wait_dma2 semaphore(%run_scoped3A : memref<!tpu.dma_semaphore, #tpu.memory_space<semaphore_mem>>) src(%arg9 : memref<768xf32, #tpu.memory_space<vmem>>) dst(%dma_wait3A_175 : memref<768xf32, #tpu.memory_space<hbm>>)
      tpu.yield
    }) : () -> ()
    %mul3A_13 = arith.constant 8 : i32
    %mul3A_14 = arith.muli %add3A, %mul3A_13 : i32
    %add3A_15 = arith.constant 1 : i32
    %add3A_16 = arith.addi %mul3A_14, %add3A_15 : i32
    %mul3A_17 = arith.constant 129 : i32
    %mul3A_18 = arith.muli %add3A_16, %mul3A_17 : i32
    %mul3A_19 = arith.constant 768 : i32
    %mul3A_20 = arith.muli %mul3A_18, %mul3A_19 : i32
    "tpu.region"() ({
      %run_scoped3A = tpu.sem_alloc : memref<!tpu.dma_semaphore, #tpu.memory_space<semaphore_mem>>
      %dma_start3A_172 = tpu.memref_slice %arg5[%mul3A_20] : memref<25362432xf32, #tpu.memory_space<hbm>> -> memref<768xf32, #tpu.memory_space<hbm>>
      %dma_start3A_173 = tpu.memref_slice %arg5[%mul3A_20] : memref<25362432xf32, #tpu.memory_space<hbm>> -> memref<768xf32, #tpu.memory_space<hbm>>
      tpu.enqueue_dma source(%arg9 : memref<768xf32, #tpu.memory_space<vmem>>) target(%dma_start3A_173 : memref<768xf32, #tpu.memory_space<hbm>>) target_semaphore(%run_scoped3A : memref<!tpu.dma_semaphore, #tpu.memory_space<semaphore_mem>>)
      %dma_wait3A_174 = tpu.memref_slice %arg5[%mul3A_20] : memref<25362432xf32, #tpu.memory_space<hbm>> -> memref<768xf32, #tpu.memory_space<hbm>>
      %dma_wait3A_175 = tpu.memref_slice %arg5[%mul3A_20] : memref<25362432xf32, #tpu.memory_space<hbm>> -> memref<768xf32, #tpu.memory_space<hbm>>
      tpu.wait_dma2 semaphore(%run_scoped3A : memref<!tpu.dma_semaphore, #tpu.memory_space<semaphore_mem>>) src(%arg9 : memref<768xf32, #tpu.memory_space<vmem>>) dst(%dma_wait3A_175 : memref<768xf32, #tpu.memory_space<hbm>>)
      tpu.yield
    }) : () -> ()
    %mul3A_21 = arith.constant 8 : i32
    %mul3A_22 = arith.muli %add3A, %mul3A_21 : i32
    %add3A_23 = arith.constant 2 : i32
    %add3A_24 = arith.addi %mul3A_22, %add3A_23 : i32
    %mul3A_25 = arith.constant 129 : i32
    %mul3A_26 = arith.muli %add3A_24, %mul3A_25 : i32
    %mul3A_27 = arith.constant 768 : i32
    %mul3A_28 = arith.muli %mul3A_26, %mul3A_27 : i32
    "tpu.region"() ({
      %run_scoped3A = tpu.sem_alloc : memref<!tpu.dma_semaphore, #tpu.memory_space<semaphore_mem>>
      %dma_start3A_172 = tpu.memref_slice %arg5[%mul3A_28] : memref<25362432xf32, #tpu.memory_space<hbm>> -> memref<768xf32, #tpu.memory_space<hbm>>
      %dma_start3A_173 = tpu.memref_slice %arg5[%mul3A_28] : memref<25362432xf32, #tpu.memory_space<hbm>> -> memref<768xf32, #tpu.memory_space<hbm>>
      tpu.enqueue_dma source(%arg9 : memref<768xf32, #tpu.memory_space<vmem>>) target(%dma_start3A_173 : memref<768xf32, #tpu.memory_space<hbm>>) target_semaphore(%run_scoped3A : memref<!tpu.dma_semaphore, #tpu.memory_space<semaphore_mem>>)
      %dma_wait3A_174 = tpu.memref_slice %arg5[%mul3A_28] : memref<25362432xf32, #tpu.memory_space<hbm>> -> memref<768xf32, #tpu.memory_space<hbm>>
      %dma_wait3A_175 = tpu.memref_slice %arg5[%mul3A_28] : memref<25362432xf32, #tpu.memory_space<hbm>> -> memref<768xf32, #tpu.memory_space<hbm>>
      tpu.wait_dma2 semaphore(%run_scoped3A : memref<!tpu.dma_semaphore, #tpu.memory_space<semaphore_mem>>) src(%arg9 : memref<768xf32, #tpu.memory_space<vmem>>) dst(%dma_wait3A_175 : memref<768xf32, #tpu.memory_space<hbm>>)
      tpu.yield
    }) : () -> ()
    %mul3A_29 = arith.constant 8 : i32
    %mul3A_30 = arith.muli %add3A, %mul3A_29 : i32
    %add3A_31 = arith.constant 3 : i32
    %add3A_32 = arith.addi %mul3A_30, %add3A_31 : i32
    %mul3A_33 = arith.constant 129 : i32
    %mul3A_34 = arith.muli %add3A_32, %mul3A_33 : i32
    %mul3A_35 = arith.constant 768 : i32
    %mul3A_36 = arith.muli %mul3A_34, %mul3A_35 : i32
    "tpu.region"() ({
      %run_scoped3A = tpu.sem_alloc : memref<!tpu.dma_semaphore, #tpu.memory_space<semaphore_mem>>
      %dma_start3A_172 = tpu.memref_slice %arg5[%mul3A_36] : memref<25362432xf32, #tpu.memory_space<hbm>> -> memref<768xf32, #tpu.memory_space<hbm>>
      %dma_start3A_173 = tpu.memref_slice %arg5[%mul3A_36] : memref<25362432xf32, #tpu.memory_space<hbm>> -> memref<768xf32, #tpu.memory_space<hbm>>
      tpu.enqueue_dma source(%arg9 : memref<768xf32, #tpu.memory_space<vmem>>) target(%dma_start3A_173 : memref<768xf32, #tpu.memory_space<hbm>>) target_semaphore(%run_scoped3A : memref<!tpu.dma_semaphore, #tpu.memory_space<semaphore_mem>>)
      %dma_wait3A_174 = tpu.memref_slice %arg5[%mul3A_36] : memref<25362432xf32, #tpu.memory_space<hbm>> -> memref<768xf32, #tpu.memory_space<hbm>>
      %dma_wait3A_175 = tpu.memref_slice %arg5[%mul3A_36] : memref<25362432xf32, #tpu.memory_space<hbm>> -> memref<768xf32, #tpu.memory_space<hbm>>
      tpu.wait_dma2 semaphore(%run_scoped3A : memref<!tpu.dma_semaphore, #tpu.memory_space<semaphore_mem>>) src(%arg9 : memref<768xf32, #tpu.memory_space<vmem>>) dst(%dma_wait3A_175 : memref<768xf32, #tpu.memory_space<hbm>>)
      tpu.yield
    }) : () -> ()
    %mul3A_37 = arith.constant 8 : i32
    %mul3A_38 = arith.muli %add3A, %mul3A_37 : i32
    %add3A_39 = arith.constant 4 : i32
    %add3A_40 = arith.addi %mul3A_38, %add3A_39 : i32
    %mul3A_41 = arith.constant 129 : i32
    %mul3A_42 = arith.muli %add3A_40, %mul3A_41 : i32
    %mul3A_43 = arith.constant 768 : i32
    %mul3A_44 = arith.muli %mul3A_42, %mul3A_43 : i32
    "tpu.region"() ({
      %run_scoped3A = tpu.sem_alloc : memref<!tpu.dma_semaphore, #tpu.memory_space<semaphore_mem>>
      %dma_start3A_172 = tpu.memref_slice %arg5[%mul3A_44] : memref<25362432xf32, #tpu.memory_space<hbm>> -> memref<768xf32, #tpu.memory_space<hbm>>
      %dma_start3A_173 = tpu.memref_slice %arg5[%mul3A_44] : memref<25362432xf32, #tpu.memory_space<hbm>> -> memref<768xf32, #tpu.memory_space<hbm>>
      tpu.enqueue_dma source(%arg9 : memref<768xf32, #tpu.memory_space<vmem>>) target(%dma_start3A_173 : memref<768xf32, #tpu.memory_space<hbm>>) target_semaphore(%run_scoped3A : memref<!tpu.dma_semaphore, #tpu.memory_space<semaphore_mem>>)
      %dma_wait3A_174 = tpu.memref_slice %arg5[%mul3A_44] : memref<25362432xf32, #tpu.memory_space<hbm>> -> memref<768xf32, #tpu.memory_space<hbm>>
      %dma_wait3A_175 = tpu.memref_slice %arg5[%mul3A_44] : memref<25362432xf32, #tpu.memory_space<hbm>> -> memref<768xf32, #tpu.memory_space<hbm>>
      tpu.wait_dma2 semaphore(%run_scoped3A : memref<!tpu.dma_semaphore, #tpu.memory_space<semaphore_mem>>) src(%arg9 : memref<768xf32, #tpu.memory_space<vmem>>) dst(%dma_wait3A_175 : memref<768xf32, #tpu.memory_space<hbm>>)
      tpu.yield
    }) : () -> ()
    %mul3A_45 = arith.constant 8 : i32
    %mul3A_46 = arith.muli %add3A, %mul3A_45 : i32
    %add3A_47 = arith.constant 5 : i32
    %add3A_48 = arith.addi %mul3A_46, %add3A_47 : i32
    %mul3A_49 = arith.constant 129 : i32
    %mul3A_50 = arith.muli %add3A_48, %mul3A_49 : i32
    %mul3A_51 = arith.constant 768 : i32
    %mul3A_52 = arith.muli %mul3A_50, %mul3A_51 : i32
    "tpu.region"() ({
      %run_scoped3A = tpu.sem_alloc : memref<!tpu.dma_semaphore, #tpu.memory_space<semaphore_mem>>
      %dma_start3A_172 = tpu.memref_slice %arg5[%mul3A_52] : memref<25362432xf32, #tpu.memory_space<hbm>> -> memref<768xf32, #tpu.memory_space<hbm>>
      %dma_start3A_173 = tpu.memref_slice %arg5[%mul3A_52] : memref<25362432xf32, #tpu.memory_space<hbm>> -> memref<768xf32, #tpu.memory_space<hbm>>
      tpu.enqueue_dma source(%arg9 : memref<768xf32, #tpu.memory_space<vmem>>) target(%dma_start3A_173 : memref<768xf32, #tpu.memory_space<hbm>>) target_semaphore(%run_scoped3A : memref<!tpu.dma_semaphore, #tpu.memory_space<semaphore_mem>>)
      %dma_wait3A_174 = tpu.memref_slice %arg5[%mul3A_52] : memref<25362432xf32, #tpu.memory_space<hbm>> -> memref<768xf32, #tpu.memory_space<hbm>>
      %dma_wait3A_175 = tpu.memref_slice %arg5[%mul3A_52] : memref<25362432xf32, #tpu.memory_space<hbm>> -> memref<768xf32, #tpu.memory_space<hbm>>
      tpu.wait_dma2 semaphore(%run_scoped3A : memref<!tpu.dma_semaphore, #tpu.memory_space<semaphore_mem>>) src(%arg9 : memref<768xf32, #tpu.memory_space<vmem>>) dst(%dma_wait3A_175 : memref<768xf32, #tpu.memory_space<hbm>>)
      tpu.yield
    }) : () -> ()
    %mul3A_53 = arith.constant 8 : i32
    %mul3A_54 = arith.muli %add3A, %mul3A_53 : i32
    %add3A_55 = arith.constant 6 : i32
    %add3A_56 = arith.addi %mul3A_54, %add3A_55 : i32
    %mul3A_57 = arith.constant 129 : i32
    %mul3A_58 = arith.muli %add3A_56, %mul3A_57 : i32
    %mul3A_59 = arith.constant 768 : i32
    %mul3A_60 = arith.muli %mul3A_58, %mul3A_59 : i32
    "tpu.region"() ({
      %run_scoped3A = tpu.sem_alloc : memref<!tpu.dma_semaphore, #tpu.memory_space<semaphore_mem>>
      %dma_start3A_172 = tpu.memref_slice %arg5[%mul3A_60] : memref<25362432xf32, #tpu.memory_space<hbm>> -> memref<768xf32, #tpu.memory_space<hbm>>
      %dma_start3A_173 = tpu.memref_slice %arg5[%mul3A_60] : memref<25362432xf32, #tpu.memory_space<hbm>> -> memref<768xf32, #tpu.memory_space<hbm>>
      tpu.enqueue_dma source(%arg9 : memref<768xf32, #tpu.memory_space<vmem>>) target(%dma_start3A_173 : memref<768xf32, #tpu.memory_space<hbm>>) target_semaphore(%run_scoped3A : memref<!tpu.dma_semaphore, #tpu.memory_space<semaphore_mem>>)
      %dma_wait3A_174 = tpu.memref_slice %arg5[%mul3A_60] : memref<25362432xf32, #tpu.memory_space<hbm>> -> memref<768xf32, #tpu.memory_space<hbm>>
      %dma_wait3A_175 = tpu.memref_slice %arg5[%mul3A_60] : memref<25362432xf32, #tpu.memory_space<hbm>> -> memref<768xf32, #tpu.memory_space<hbm>>
      tpu.wait_dma2 semaphore(%run_scoped3A : memref<!tpu.dma_semaphore, #tpu.memory_space<semaphore_mem>>) src(%arg9 : memref<768xf32, #tpu.memory_space<vmem>>) dst(%dma_wait3A_175 : memref<768xf32, #tpu.memory_space<hbm>>)
      tpu.yield
    }) : () -> ()
    %mul3A_61 = arith.constant 8 : i32
    %mul3A_62 = arith.muli %add3A, %mul3A_61 : i32
    %add3A_63 = arith.constant 7 : i32
    %add3A_64 = arith.addi %mul3A_62, %add3A_63 : i32
    %mul3A_65 = arith.constant 129 : i32
    %mul3A_66 = arith.muli %add3A_64, %mul3A_65 : i32
    %mul3A_67 = arith.constant 768 : i32
    %mul3A_68 = arith.muli %mul3A_66, %mul3A_67 : i32
    "tpu.region"() ({
      %run_scoped3A = tpu.sem_alloc : memref<!tpu.dma_semaphore, #tpu.memory_space<semaphore_mem>>
      %dma_start3A_172 = tpu.memref_slice %arg5[%mul3A_68] : memref<25362432xf32, #tpu.memory_space<hbm>> -> memref<768xf32, #tpu.memory_space<hbm>>
      %dma_start3A_173 = tpu.memref_slice %arg5[%mul3A_68] : memref<25362432xf32, #tpu.memory_space<hbm>> -> memref<768xf32, #tpu.memory_space<hbm>>
      tpu.enqueue_dma source(%arg9 : memref<768xf32, #tpu.memory_space<vmem>>) target(%dma_start3A_173 : memref<768xf32, #tpu.memory_space<hbm>>) target_semaphore(%run_scoped3A : memref<!tpu.dma_semaphore, #tpu.memory_space<semaphore_mem>>)
      %dma_wait3A_174 = tpu.memref_slice %arg5[%mul3A_68] : memref<25362432xf32, #tpu.memory_space<hbm>> -> memref<768xf32, #tpu.memory_space<hbm>>
      %dma_wait3A_175 = tpu.memref_slice %arg5[%mul3A_68] : memref<25362432xf32, #tpu.memory_space<hbm>> -> memref<768xf32, #tpu.memory_space<hbm>>
      tpu.wait_dma2 semaphore(%run_scoped3A : memref<!tpu.dma_semaphore, #tpu.memory_space<semaphore_mem>>) src(%arg9 : memref<768xf32, #tpu.memory_space<vmem>>) dst(%dma_wait3A_175 : memref<768xf32, #tpu.memory_space<hbm>>)
      tpu.yield
    }) : () -> ()
    %dma_start3A = arith.constant 0 : i32
    %dma_start3A_69 = arith.constant 0 : i32
    %dma_start3A_70 = arith.constant 0 : i32
    %dma_start3A_71 = tpu.memref_slice %arg7[%dma_start3A, %dma_start3A_69, %dma_start3A_70] : memref<2x88x384xi32, #tpu.memory_space<vmem>> -> memref<1x48x384xi32, #tpu.memory_space<vmem>>
    %dma_start3A_72 = tpu.memref_squeeze %dma_start3A_71 : memref<1x48x384xi32, #tpu.memory_space<vmem>> -> memref<48x384xi32, #tpu.memory_space<vmem>>
    %dma_start3A_73 = arith.constant 0 : i32
    %dma_start3A_74 = tpu.memref_slice %arg6[%dma_start3A_73] : memref<11264xi32, #tpu.memory_space<vmem>> -> memref<48xi32, #tpu.memory_space<vmem>>
    %dma_start3A_75 = arith.constant 0 : i32
    %dma_start3A_76 = arith.constant 0 : i32
    %dma_start3A_77 = tpu.memref_slice %arg3[%dma_start3A_75, %dma_start3A_76] : memref<5633x384xi32, #tpu.memory_space<hbm>> -> memref<5633x384xi32, #tpu.memory_space<hbm>>
    tpu.enqueue_indirect_dma source(%dma_start3A_77 : memref<5633x384xi32, #tpu.memory_space<hbm>>) target(%dma_start3A_72 : memref<48x384xi32, #tpu.memory_space<vmem>>) offsets(%dma_start3A_74 : memref<48xi32, #tpu.memory_space<vmem>>) semaphore(%arg10 : memref<!tpu.dma_semaphore, #tpu.memory_space<semaphore_mem>>)
    %dma_start3A_78 = arith.constant 0 : i32
    %dma_start3A_79 = arith.constant 48 : i32
    %dma_start3A_80 = arith.constant 0 : i32
    %dma_start3A_81 = tpu.memref_slice %arg7[%dma_start3A_78, %dma_start3A_79, %dma_start3A_80] : memref<2x88x384xi32, #tpu.memory_space<vmem>> -> memref<1x40x384xi32, #tpu.memory_space<vmem>>
    %dma_start3A_82 = tpu.memref_squeeze %dma_start3A_81 : memref<1x40x384xi32, #tpu.memory_space<vmem>> -> memref<40x384xi32, #tpu.memory_space<vmem>>
    %dma_start3A_83 = arith.constant 48 : i32
    %dma_start3A_84 = tpu.memref_slice %arg6[%dma_start3A_83] : memref<11264xi32, #tpu.memory_space<vmem>> -> memref<40xi32, #tpu.memory_space<vmem>>
    %dma_start3A_85 = arith.constant 0 : i32
    %dma_start3A_86 = arith.constant 0 : i32
    %dma_start3A_87 = tpu.memref_slice %arg3[%dma_start3A_85, %dma_start3A_86] : memref<5633x384xi32, #tpu.memory_space<hbm>> -> memref<5633x384xi32, #tpu.memory_space<hbm>>
    tpu.enqueue_indirect_dma source(%dma_start3A_87 : memref<5633x384xi32, #tpu.memory_space<hbm>>) target(%dma_start3A_82 : memref<40x384xi32, #tpu.memory_space<vmem>>) offsets(%dma_start3A_84 : memref<40xi32, #tpu.memory_space<vmem>>) semaphore(%arg14 : memref<!tpu.dma_semaphore, #tpu.memory_space<semaphore_mem>>)
    %dma_wait3A = arith.constant 0 : i32
    %dma_wait3A_88 = arith.constant 0 : i32
    %dma_wait3A_89 = arith.constant 0 : i32
    %dma_wait3A_90 = tpu.memref_slice %arg7[%dma_wait3A, %dma_wait3A_88, %dma_wait3A_89] : memref<2x88x384xi32, #tpu.memory_space<vmem>> -> memref<1x48x384xi32, #tpu.memory_space<vmem>>
    %dma_wait3A_91 = tpu.memref_squeeze %dma_wait3A_90 : memref<1x48x384xi32, #tpu.memory_space<vmem>> -> memref<48x384xi32, #tpu.memory_space<vmem>>
    %dma_wait3A_92 = arith.constant 0 : i32
    %dma_wait3A_93 = tpu.memref_slice %arg6[%dma_wait3A_92] : memref<11264xi32, #tpu.memory_space<vmem>> -> memref<48xi32, #tpu.memory_space<vmem>>
    %dma_wait3A_94 = arith.constant 0 : i32
    %dma_wait3A_95 = arith.constant 0 : i32
    %dma_wait3A_96 = tpu.memref_slice %arg3[%dma_wait3A_94, %dma_wait3A_95] : memref<5633x384xi32, #tpu.memory_space<hbm>> -> memref<5633x384xi32, #tpu.memory_space<hbm>>
    tpu.wait_indirect_dma semaphore(%arg10 : memref<!tpu.dma_semaphore, #tpu.memory_space<semaphore_mem>>) src(%dma_wait3A_96 : memref<5633x384xi32, #tpu.memory_space<hbm>>) dst(%dma_wait3A_91 : memref<48x384xi32, #tpu.memory_space<vmem>>)
    %dma_wait3A_97 = arith.constant 0 : i32
    %dma_wait3A_98 = arith.constant 48 : i32
    %dma_wait3A_99 = arith.constant 0 : i32
    %dma_wait3A_100 = tpu.memref_slice %arg7[%dma_wait3A_97, %dma_wait3A_98, %dma_wait3A_99] : memref<2x88x384xi32, #tpu.memory_space<vmem>> -> memref<1x40x384xi32, #tpu.memory_space<vmem>>
    %dma_wait3A_101 = tpu.memref_squeeze %dma_wait3A_100 : memref<1x40x384xi32, #tpu.memory_space<vmem>> -> memref<40x384xi32, #tpu.memory_space<vmem>>
    %dma_wait3A_102 = arith.constant 0 : i32
    %dma_wait3A_103 = tpu.memref_slice %arg6[%dma_wait3A_102] : memref<11264xi32, #tpu.memory_space<vmem>> -> memref<40xi32, #tpu.memory_space<vmem>>
    %dma_wait3A_104 = arith.constant 0 : i32
    %dma_wait3A_105 = arith.constant 0 : i32
    %dma_wait3A_106 = tpu.memref_slice %arg3[%dma_wait3A_104, %dma_wait3A_105] : memref<5633x384xi32, #tpu.memory_space<hbm>> -> memref<5633x384xi32, #tpu.memory_space<hbm>>
    tpu.wait_indirect_dma semaphore(%arg14 : memref<!tpu.dma_semaphore, #tpu.memory_space<semaphore_mem>>) src(%dma_wait3A_106 : memref<5633x384xi32, #tpu.memory_space<hbm>>) dst(%dma_wait3A_101 : memref<40x384xi32, #tpu.memory_space<vmem>>)
    %scan3A = arith.constant 0 : i32
    %scan3A_107 = arith.constant 0 : i32
    %scan3A_108 = arith.constant 64 : i32
    %scan3A_109 = arith.addi %scan3A_107, %scan3A_108 : i32
    %scan3A_110 = arith.constant 1 : i32
    scf.for %scan3A_172 = %scan3A_107 to %scan3A_109 step %scan3A_110  : i32 {
      %mul3A_173 = arith.constant 2 : i32
      %mul3A_174 = arith.muli %mul3A_173, %scan3A_172 : i32
      %add3A_175 = arith.constant 1 : i32
      %add3A_176 = arith.addi %mul3A_174, %add3A_175 : i32
      %mul3A_177 = arith.constant 8 : i32
      %mul3A_178 = arith.muli %add3A_176, %mul3A_177 : i32
      %mul3A_179 = arith.constant 11 : i32
      %mul3A_180 = arith.muli %mul3A_178, %mul3A_179 : i32
      %dma_start3A_181 = arith.constant 1 : i32
      %dma_start3A_182 = arith.constant 0 : i32
      %dma_start3A_183 = arith.constant 0 : i32
      %dma_start3A_184 = tpu.memref_slice %arg7[%dma_start3A_181, %dma_start3A_182, %dma_start3A_183] : memref<2x88x384xi32, #tpu.memory_space<vmem>> -> memref<1x48x384xi32, #tpu.memory_space<vmem>>
      %dma_start3A_185 = tpu.memref_squeeze %dma_start3A_184 : memref<1x48x384xi32, #tpu.memory_space<vmem>> -> memref<48x384xi32, #tpu.memory_space<vmem>>
      %dma_start3A_186 = tpu.memref_slice %arg6[%mul3A_180] : memref<11264xi32, #tpu.memory_space<vmem>> -> memref<48xi32, #tpu.memory_space<vmem>>
      %dma_start3A_187 = arith.constant 0 : i32
      %dma_start3A_188 = arith.constant 0 : i32
      %dma_start3A_189 = tpu.memref_slice %arg3[%dma_start3A_187, %dma_start3A_188] : memref<5633x384xi32, #tpu.memory_space<hbm>> -> memref<5633x384xi32, #tpu.memory_space<hbm>>
      tpu.enqueue_indirect_dma source(%dma_start3A_189 : memref<5633x384xi32, #tpu.memory_space<hbm>>) target(%dma_start3A_185 : memref<48x384xi32, #tpu.memory_space<vmem>>) offsets(%dma_start3A_186 : memref<48xi32, #tpu.memory_space<vmem>>) semaphore(%arg11 : memref<!tpu.dma_semaphore, #tpu.memory_space<semaphore_mem>>)
      %mul3A_190 = arith.constant 8 : i32
      %mul3A_191 = arith.muli %add3A_176, %mul3A_190 : i32
      %mul3A_192 = arith.constant 11 : i32
      %mul3A_193 = arith.muli %mul3A_191, %mul3A_192 : i32
      %add3A_194 = arith.constant 48 : i32
      %add3A_195 = arith.addi %mul3A_193, %add3A_194 : i32
      %dma_start3A_196 = arith.constant 1 : i32
      %dma_start3A_197 = arith.constant 48 : i32
      %dma_start3A_198 = arith.constant 0 : i32
      %dma_start3A_199 = tpu.memref_slice %arg7[%dma_start3A_196, %dma_start3A_197, %dma_start3A_198] : memref<2x88x384xi32, #tpu.memory_space<vmem>> -> memref<1x40x384xi32, #tpu.memory_space<vmem>>
      %dma_start3A_200 = tpu.memref_squeeze %dma_start3A_199 : memref<1x40x384xi32, #tpu.memory_space<vmem>> -> memref<40x384xi32, #tpu.memory_space<vmem>>
      %dma_start3A_201 = tpu.memref_slice %arg6[%add3A_195] : memref<11264xi32, #tpu.memory_space<vmem>> -> memref<40xi32, #tpu.memory_space<vmem>>
      %dma_start3A_202 = arith.constant 0 : i32
      %dma_start3A_203 = arith.constant 0 : i32
      %dma_start3A_204 = tpu.memref_slice %arg3[%dma_start3A_202, %dma_start3A_203] : memref<5633x384xi32, #tpu.memory_space<hbm>> -> memref<5633x384xi32, #tpu.memory_space<hbm>>
      tpu.enqueue_indirect_dma source(%dma_start3A_204 : memref<5633x384xi32, #tpu.memory_space<hbm>>) target(%dma_start3A_200 : memref<40x384xi32, #tpu.memory_space<vmem>>) offsets(%dma_start3A_201 : memref<40xi32, #tpu.memory_space<vmem>>) semaphore(%arg15 : memref<!tpu.dma_semaphore, #tpu.memory_space<semaphore_mem>>)
      %add3A_205 = arith.constant 2 : i32
      %add3A_206 = arith.addi %mul3A_174, %add3A_205 : i32
      %lt3A = arith.constant 128 : i32
      %lt3A_207 = arith.cmpi slt, %add3A_206, %lt3A : i32
      %convert_element_type3A = arith.extui %lt3A_207 : i1 to i32
      %cond3A = arith.constant 0 : i32
      %cond3A_208 = arith.cmpi ne, %convert_element_type3A, %cond3A : i32
      scf.if %cond3A_208 {
        %add3A_236 = arith.constant 2 : i32
        %add3A_237 = arith.addi %mul3A_174, %add3A_236 : i32
        %mul3A_238 = arith.constant 8 : i32
        %mul3A_239 = arith.muli %add3A_237, %mul3A_238 : i32
        %mul3A_240 = arith.constant 11 : i32
        %mul3A_241 = arith.muli %mul3A_239, %mul3A_240 : i32
        %dma_start3A_242 = arith.constant 0 : i32
        %dma_start3A_243 = arith.constant 0 : i32
        %dma_start3A_244 = arith.constant 0 : i32
        %dma_start3A_245 = tpu.memref_slice %arg7[%dma_start3A_242, %dma_start3A_243, %dma_start3A_244] : memref<2x88x384xi32, #tpu.memory_space<vmem>> -> memref<1x48x384xi32, #tpu.memory_space<vmem>>
        %dma_start3A_246 = tpu.memref_squeeze %dma_start3A_245 : memref<1x48x384xi32, #tpu.memory_space<vmem>> -> memref<48x384xi32, #tpu.memory_space<vmem>>
        %dma_start3A_247 = tpu.memref_slice %arg6[%mul3A_241] : memref<11264xi32, #tpu.memory_space<vmem>> -> memref<48xi32, #tpu.memory_space<vmem>>
        %dma_start3A_248 = arith.constant 0 : i32
        %dma_start3A_249 = arith.constant 0 : i32
        %dma_start3A_250 = tpu.memref_slice %arg3[%dma_start3A_248, %dma_start3A_249] : memref<5633x384xi32, #tpu.memory_space<hbm>> -> memref<5633x384xi32, #tpu.memory_space<hbm>>
        tpu.enqueue_indirect_dma source(%dma_start3A_250 : memref<5633x384xi32, #tpu.memory_space<hbm>>) target(%dma_start3A_246 : memref<48x384xi32, #tpu.memory_space<vmem>>) offsets(%dma_start3A_247 : memref<48xi32, #tpu.memory_space<vmem>>) semaphore(%arg10 : memref<!tpu.dma_semaphore, #tpu.memory_space<semaphore_mem>>)
        %mul3A_251 = arith.constant 8 : i32
        %mul3A_252 = arith.muli %add3A_237, %mul3A_251 : i32
        %mul3A_253 = arith.constant 11 : i32
        %mul3A_254 = arith.muli %mul3A_252, %mul3A_253 : i32
        %add3A_255 = arith.constant 48 : i32
        %add3A_256 = arith.addi %mul3A_254, %add3A_255 : i32
        %dma_start3A_257 = arith.constant 0 : i32
        %dma_start3A_258 = arith.constant 48 : i32
        %dma_start3A_259 = arith.constant 0 : i32
        %dma_start3A_260 = tpu.memref_slice %arg7[%dma_start3A_257, %dma_start3A_258, %dma_start3A_259] : memref<2x88x384xi32, #tpu.memory_space<vmem>> -> memref<1x40x384xi32, #tpu.memory_space<vmem>>
        %dma_start3A_261 = tpu.memref_squeeze %dma_start3A_260 : memref<1x40x384xi32, #tpu.memory_space<vmem>> -> memref<40x384xi32, #tpu.memory_space<vmem>>
        %dma_start3A_262 = tpu.memref_slice %arg6[%add3A_256] : memref<11264xi32, #tpu.memory_space<vmem>> -> memref<40xi32, #tpu.memory_space<vmem>>
        %dma_start3A_263 = arith.constant 0 : i32
        %dma_start3A_264 = arith.constant 0 : i32
        %dma_start3A_265 = tpu.memref_slice %arg3[%dma_start3A_263, %dma_start3A_264] : memref<5633x384xi32, #tpu.memory_space<hbm>> -> memref<5633x384xi32, #tpu.memory_space<hbm>>
        tpu.enqueue_indirect_dma source(%dma_start3A_265 : memref<5633x384xi32, #tpu.memory_space<hbm>>) target(%dma_start3A_261 : memref<40x384xi32, #tpu.memory_space<vmem>>) offsets(%dma_start3A_262 : memref<40xi32, #tpu.memory_space<vmem>>) semaphore(%arg14 : memref<!tpu.dma_semaphore, #tpu.memory_space<semaphore_mem>>)
      } else {
      }
      %dma_wait3A_209 = arith.constant 1 : i32
      %dma_wait3A_210 = arith.constant 0 : i32
      %dma_wait3A_211 = arith.constant 0 : i32
      %dma_wait3A_212 = tpu.memref_slice %arg7[%dma_wait3A_209, %dma_wait3A_210, %dma_wait3A_211] : memref<2x88x384xi32, #tpu.memory_space<vmem>> -> memref<1x48x384xi32, #tpu.memory_space<vmem>>
      %dma_wait3A_213 = tpu.memref_squeeze %dma_wait3A_212 : memref<1x48x384xi32, #tpu.memory_space<vmem>> -> memref<48x384xi32, #tpu.memory_space<vmem>>
      %dma_wait3A_214 = arith.constant 0 : i32
      %dma_wait3A_215 = tpu.memref_slice %arg6[%dma_wait3A_214] : memref<11264xi32, #tpu.memory_space<vmem>> -> memref<48xi32, #tpu.memory_space<vmem>>
      %dma_wait3A_216 = arith.constant 0 : i32
      %dma_wait3A_217 = arith.constant 0 : i32
      %dma_wait3A_218 = tpu.memref_slice %arg3[%dma_wait3A_216, %dma_wait3A_217] : memref<5633x384xi32, #tpu.memory_space<hbm>> -> memref<5633x384xi32, #tpu.memory_space<hbm>>
      tpu.wait_indirect_dma semaphore(%arg11 : memref<!tpu.dma_semaphore, #tpu.memory_space<semaphore_mem>>) src(%dma_wait3A_218 : memref<5633x384xi32, #tpu.memory_space<hbm>>) dst(%dma_wait3A_213 : memref<48x384xi32, #tpu.memory_space<vmem>>)
      %dma_wait3A_219 = arith.constant 1 : i32
      %dma_wait3A_220 = arith.constant 48 : i32
      %dma_wait3A_221 = arith.constant 0 : i32
      %dma_wait3A_222 = tpu.memref_slice %arg7[%dma_wait3A_219, %dma_wait3A_220, %dma_wait3A_221] : memref<2x88x384xi32, #tpu.memory_space<vmem>> -> memref<1x40x384xi32, #tpu.memory_space<vmem>>
      %dma_wait3A_223 = tpu.memref_squeeze %dma_wait3A_222 : memref<1x40x384xi32, #tpu.memory_space<vmem>> -> memref<40x384xi32, #tpu.memory_space<vmem>>
      %dma_wait3A_224 = arith.constant 0 : i32
      %dma_wait3A_225 = tpu.memref_slice %arg6[%dma_wait3A_224] : memref<11264xi32, #tpu.memory_space<vmem>> -> memref<40xi32, #tpu.memory_space<vmem>>
      %dma_wait3A_226 = arith.constant 0 : i32
      %dma_wait3A_227 = arith.constant 0 : i32
      %dma_wait3A_228 = tpu.memref_slice %arg3[%dma_wait3A_226, %dma_wait3A_227] : memref<5633x384xi32, #tpu.memory_space<hbm>> -> memref<5633x384xi32, #tpu.memory_space<hbm>>
      tpu.wait_indirect_dma semaphore(%arg15 : memref<!tpu.dma_semaphore, #tpu.memory_space<semaphore_mem>>) src(%dma_wait3A_228 : memref<5633x384xi32, #tpu.memory_space<hbm>>) dst(%dma_wait3A_223 : memref<40x384xi32, #tpu.memory_space<vmem>>)
      %add3A_229 = arith.constant 2 : i32
      %add3A_230 = arith.addi %mul3A_174, %add3A_229 : i32
      %lt3A_231 = arith.constant 128 : i32
      %lt3A_232 = arith.cmpi slt, %add3A_230, %lt3A_231 : i32
      %convert_element_type3A_233 = arith.extui %lt3A_232 : i1 to i32
      %cond3A_234 = arith.constant 0 : i32
      %cond3A_235 = arith.cmpi ne, %convert_element_type3A_233, %cond3A_234 : i32
      scf.if %cond3A_235 {
        %dma_wait3A_236 = arith.constant 0 : i32
        %dma_wait3A_237 = arith.constant 0 : i32
        %dma_wait3A_238 = arith.constant 0 : i32
        %dma_wait3A_239 = tpu.memref_slice %arg7[%dma_wait3A_236, %dma_wait3A_237, %dma_wait3A_238] : memref<2x88x384xi32, #tpu.memory_space<vmem>> -> memref<1x48x384xi32, #tpu.memory_space<vmem>>
        %dma_wait3A_240 = tpu.memref_squeeze %dma_wait3A_239 : memref<1x48x384xi32, #tpu.memory_space<vmem>> -> memref<48x384xi32, #tpu.memory_space<vmem>>
        %dma_wait3A_241 = arith.constant 0 : i32
        %dma_wait3A_242 = tpu.memref_slice %arg6[%dma_wait3A_241] : memref<11264xi32, #tpu.memory_space<vmem>> -> memref<48xi32, #tpu.memory_space<vmem>>
        %dma_wait3A_243 = arith.constant 0 : i32
        %dma_wait3A_244 = arith.constant 0 : i32
        %dma_wait3A_245 = tpu.memref_slice %arg3[%dma_wait3A_243, %dma_wait3A_244] : memref<5633x384xi32, #tpu.memory_space<hbm>> -> memref<5633x384xi32, #tpu.memory_space<hbm>>
        tpu.wait_indirect_dma semaphore(%arg10 : memref<!tpu.dma_semaphore, #tpu.memory_space<semaphore_mem>>) src(%dma_wait3A_245 : memref<5633x384xi32, #tpu.memory_space<hbm>>) dst(%dma_wait3A_240 : memref<48x384xi32, #tpu.memory_space<vmem>>)
        %dma_wait3A_246 = arith.constant 0 : i32
        %dma_wait3A_247 = arith.constant 48 : i32
        %dma_wait3A_248 = arith.constant 0 : i32
        %dma_wait3A_249 = tpu.memref_slice %arg7[%dma_wait3A_246, %dma_wait3A_247, %dma_wait3A_248] : memref<2x88x384xi32, #tpu.memory_space<vmem>> -> memref<1x40x384xi32, #tpu.memory_space<vmem>>
        %dma_wait3A_250 = tpu.memref_squeeze %dma_wait3A_249 : memref<1x40x384xi32, #tpu.memory_space<vmem>> -> memref<40x384xi32, #tpu.memory_space<vmem>>
        %dma_wait3A_251 = arith.constant 0 : i32
        %dma_wait3A_252 = tpu.memref_slice %arg6[%dma_wait3A_251] : memref<11264xi32, #tpu.memory_space<vmem>> -> memref<40xi32, #tpu.memory_space<vmem>>
        %dma_wait3A_253 = arith.constant 0 : i32
        %dma_wait3A_254 = arith.constant 0 : i32
        %dma_wait3A_255 = tpu.memref_slice %arg3[%dma_wait3A_253, %dma_wait3A_254] : memref<5633x384xi32, #tpu.memory_space<hbm>> -> memref<5633x384xi32, #tpu.memory_space<hbm>>
        tpu.wait_indirect_dma semaphore(%arg14 : memref<!tpu.dma_semaphore, #tpu.memory_space<semaphore_mem>>) src(%dma_wait3A_255 : memref<5633x384xi32, #tpu.memory_space<hbm>>) dst(%dma_wait3A_250 : memref<40x384xi32, #tpu.memory_space<vmem>>)
      } else {
      }
    }
    %scan3A_111 = arith.constant 64 : i32
    %mul3A_112 = arith.constant 8 : i32
    %mul3A_113 = arith.muli %add3A, %mul3A_112 : i32
    %add3A_114 = arith.constant 7 : i32
    %add3A_115 = arith.addi %mul3A_113, %add3A_114 : i32
    %mul3A_116 = arith.constant 129 : i32
    %mul3A_117 = arith.muli %add3A_115, %mul3A_116 : i32
    %add3A_118 = arith.constant 1 : i32
    %add3A_119 = arith.addi %mul3A_117, %add3A_118 : i32
    %add3A_120 = arith.constant 112 : i32
    %add3A_121 = arith.addi %add3A_119, %add3A_120 : i32
    %mul3A_122 = arith.constant 768 : i32
    %mul3A_123 = arith.muli %add3A_121, %mul3A_122 : i32
    %dma_start3A_124 = arith.constant 0 : i32
    %dma_start3A_125 = arith.constant 0 : i32
    %dma_start3A_126 = tpu.memref_slice %arg8[%dma_start3A_124, %dma_start3A_125] : memref<2x6144xf32, #tpu.memory_space<vmem>> -> memref<1x6144xf32, #tpu.memory_space<vmem>>
    %dma_start3A_127 = tpu.memref_squeeze %dma_start3A_126 : memref<1x6144xf32, #tpu.memory_space<vmem>> -> memref<6144xf32, #tpu.memory_space<vmem>>
    %dma_start3A_128 = tpu.memref_slice %arg5[%mul3A_123] : memref<25362432xf32, #tpu.memory_space<hbm>> -> memref<6144xf32, #tpu.memory_space<hbm>>
    %dma_start3A_129 = tpu.memref_slice %arg5[%mul3A_123] : memref<25362432xf32, #tpu.memory_space<hbm>> -> memref<6144xf32, #tpu.memory_space<hbm>>
    %dma_start3A_130 = arith.constant 0 : i32
    %dma_start3A_131 = tpu.memref_slice %arg8[%dma_start3A_124, %dma_start3A_130] : memref<2x6144xf32, #tpu.memory_space<vmem>> -> memref<1x6144xf32, #tpu.memory_space<vmem>>
    %dma_start3A_132 = tpu.memref_squeeze %dma_start3A_131 : memref<1x6144xf32, #tpu.memory_space<vmem>> -> memref<6144xf32, #tpu.memory_space<vmem>>
    tpu.enqueue_dma source(%dma_start3A_132 : memref<6144xf32, #tpu.memory_space<vmem>>) target(%dma_start3A_129 : memref<6144xf32, #tpu.memory_space<hbm>>) target_semaphore(%arg12 : memref<!tpu.dma_semaphore, #tpu.memory_space<semaphore_mem>>)
    %dma_wait3A_133 = arith.constant 0 : i32
    %dma_wait3A_134 = arith.constant 0 : i32
    %dma_wait3A_135 = tpu.memref_slice %arg8[%dma_wait3A_133, %dma_wait3A_134] : memref<2x6144xf32, #tpu.memory_space<vmem>> -> memref<1x6144xf32, #tpu.memory_space<vmem>>
    %dma_wait3A_136 = tpu.memref_squeeze %dma_wait3A_135 : memref<1x6144xf32, #tpu.memory_space<vmem>> -> memref<6144xf32, #tpu.memory_space<vmem>>
    %dma_wait3A_137 = tpu.memref_slice %arg5[%mul3A_123] : memref<25362432xf32, #tpu.memory_space<hbm>> -> memref<6144xf32, #tpu.memory_space<hbm>>
    %dma_wait3A_138 = tpu.memref_slice %arg5[%mul3A_123] : memref<25362432xf32, #tpu.memory_space<hbm>> -> memref<6144xf32, #tpu.memory_space<hbm>>
    %dma_wait3A_139 = arith.constant 0 : i32
    %dma_wait3A_140 = tpu.memref_slice %arg8[%dma_wait3A_133, %dma_wait3A_139] : memref<2x6144xf32, #tpu.memory_space<vmem>> -> memref<1x6144xf32, #tpu.memory_space<vmem>>
    %dma_wait3A_141 = tpu.memref_squeeze %dma_wait3A_140 : memref<1x6144xf32, #tpu.memory_space<vmem>> -> memref<6144xf32, #tpu.memory_space<vmem>>
    tpu.wait_dma2 semaphore(%arg12 : memref<!tpu.dma_semaphore, #tpu.memory_space<semaphore_mem>>) src(%dma_wait3A_141 : memref<6144xf32, #tpu.memory_space<vmem>>) dst(%dma_wait3A_138 : memref<6144xf32, #tpu.memory_space<hbm>>)
    %mul3A_142 = arith.constant 8 : i32
    %mul3A_143 = arith.muli %add3A, %mul3A_142 : i32
    %add3A_144 = arith.constant 7 : i32
    %add3A_145 = arith.addi %mul3A_143, %add3A_144 : i32
    %mul3A_146 = arith.constant 129 : i32
    %mul3A_147 = arith.muli %add3A_145, %mul3A_146 : i32
    %add3A_148 = arith.constant 1 : i32
    %add3A_149 = arith.addi %mul3A_147, %add3A_148 : i32
    %add3A_150 = arith.constant 120 : i32
    %add3A_151 = arith.addi %add3A_149, %add3A_150 : i32
    %mul3A_152 = arith.constant 768 : i32
    %mul3A_153 = arith.muli %add3A_151, %mul3A_152 : i32
    %dma_start3A_154 = arith.constant 1 : i32
    %dma_start3A_155 = arith.constant 0 : i32
    %dma_start3A_156 = tpu.memref_slice %arg8[%dma_start3A_154, %dma_start3A_155] : memref<2x6144xf32, #tpu.memory_space<vmem>> -> memref<1x6144xf32, #tpu.memory_space<vmem>>
    %dma_start3A_157 = tpu.memref_squeeze %dma_start3A_156 : memref<1x6144xf32, #tpu.memory_space<vmem>> -> memref<6144xf32, #tpu.memory_space<vmem>>
    %dma_start3A_158 = tpu.memref_slice %arg5[%mul3A_153] : memref<25362432xf32, #tpu.memory_space<hbm>> -> memref<6144xf32, #tpu.memory_space<hbm>>
    %dma_start3A_159 = tpu.memref_slice %arg5[%mul3A_153] : memref<25362432xf32, #tpu.memory_space<hbm>> -> memref<6144xf32, #tpu.memory_space<hbm>>
    %dma_start3A_160 = arith.constant 0 : i32
    %dma_start3A_161 = tpu.memref_slice %arg8[%dma_start3A_154, %dma_start3A_160] : memref<2x6144xf32, #tpu.memory_space<vmem>> -> memref<1x6144xf32, #tpu.memory_space<vmem>>
    %dma_start3A_162 = tpu.memref_squeeze %dma_start3A_161 : memref<1x6144xf32, #tpu.memory_space<vmem>> -> memref<6144xf32, #tpu.memory_space<vmem>>
    tpu.enqueue_dma source(%dma_start3A_162 : memref<6144xf32, #tpu.memory_space<vmem>>) target(%dma_start3A_159 : memref<6144xf32, #tpu.memory_space<hbm>>) target_semaphore(%arg13 : memref<!tpu.dma_semaphore, #tpu.memory_space<semaphore_mem>>)
    %dma_wait3A_163 = arith.constant 1 : i32
    %dma_wait3A_164 = arith.constant 0 : i32
    %dma_wait3A_165 = tpu.memref_slice %arg8[%dma_wait3A_163, %dma_wait3A_164] : memref<2x6144xf32, #tpu.memory_space<vmem>> -> memref<1x6144xf32, #tpu.memory_space<vmem>>
    %dma_wait3A_166 = tpu.memref_squeeze %dma_wait3A_165 : memref<1x6144xf32, #tpu.memory_space<vmem>> -> memref<6144xf32, #tpu.memory_space<vmem>>
    %dma_wait3A_167 = tpu.memref_slice %arg5[%mul3A_153] : memref<25362432xf32, #tpu.memory_space<hbm>> -> memref<6144xf32, #tpu.memory_space<hbm>>
    %dma_wait3A_168 = tpu.memref_slice %arg5[%mul3A_153] : memref<25362432xf32, #tpu.memory_space<hbm>> -> memref<6144xf32, #tpu.memory_space<hbm>>
    %dma_wait3A_169 = arith.constant 0 : i32
    %dma_wait3A_170 = tpu.memref_slice %arg8[%dma_wait3A_163, %dma_wait3A_169] : memref<2x6144xf32, #tpu.memory_space<vmem>> -> memref<1x6144xf32, #tpu.memory_space<vmem>>
    %dma_wait3A_171 = tpu.memref_squeeze %dma_wait3A_170 : memref<1x6144xf32, #tpu.memory_space<vmem>> -> memref<6144xf32, #tpu.memory_space<vmem>>
    tpu.wait_dma2 semaphore(%arg13 : memref<!tpu.dma_semaphore, #tpu.memory_space<semaphore_mem>>) src(%dma_wait3A_171 : memref<6144xf32, #tpu.memory_space<vmem>>) dst(%dma_wait3A_168 : memref<6144xf32, #tpu.memory_space<hbm>>)
    return
  }
}

</mosaic_0001>

<sc_bundles>
// kernel: kernel.3.cloned.1.call-start
scs
__scs_entry_jumppad:
0x0: {  	(pc) =	sbr.rel $0x88, $3  }
0x1: {  	(tag) =	ssettag $0x0;
	lr =	simm.s32 $0x1  }
0x2: {  	[smem:$0x3F9A] =	sst lr;
	_ =	strace $0xD0000000  }
0x3: {  	_ = 	snop  }
0x4: {  	_ = 	snop  }
0x5: {  	_ = 	snop  }
0x6: {  	_ = 	snop  }
0x7: {  	_ = 	snop  }
__scs_overlays_trampoline_lowered:
0x8: {  	[smem:$0x3FA9] =	sst s0  }
0x9: {  	[smem:$0x3FAA] =	sst s1  }
0xa: {  	[smem:$0x3FAB] =	sst s2  }
0xb: {  	[smem:$0x3FAC] =	sst s3  }
0xc: {  	[smem:$0x3FAD] =	sst s4  }
0xd: {  	[smem:$0x3FAE] =	sst s5  }
0xe: {  	[smem:$0x3FAF] =	sst s6  }
0xf: {  	[smem:$0x3FB0] =	sst s7  }
0x10: {  	[smem:$0x3FB1] =	sst s8  }
0x11: {  	[smem:$0x3FB2] =	sst s9;
	s0 =	simm.s32 @!p0 $0x0  }
0x12: {  	s1 =	sld [smem:$0x3F98];
	s0 =	simm.s32 @p0 $0x1  }
0x13: {  	[smem:$0x3FB3] =	sst s0;
	s0 =	simm.s32 @!p1 $0x0  }
0x14: {  	s2 =	sld [smem:$0x3F97];
	s0 =	simm.s32 @p1 $0x1  }
0x15: {  	[smem:$0x3FB4] =	sst s0;
	s0 =	simm.s32 @!p2 $0x0  }
0x16: {  	s3 =	sld [smem:$0x3FDB];
	s0 =	simm.s32 @p2 $0x1  }
0x17: {  	s4 =	simm.s32 $0x1BF5;
	[smem:$0x3FB6] =	sst s0  }
0x18: {  	s0 =	sld [smem:$0x3F99];
	_ =	swait.ge [sflag:s4], $0x0  }
0x19: {  	s7 =	sld [smem:$0x3F9A]  }
0x1a: {  	s8 =	sadd.s32 $0xFFFFE003, lr  }
0x1b: {  	s9 =	sadd.s32 $0xFFFFFEF7, lr;
	s5 =	simm.s32 $0xFFFFFFFF;
	p2 =	slt.u32 s8, $0xFFFFF086  }
0x1c: {  	p1 =	slt.u32 s9, $0xF7A;
	s5 =	simm.s32 @!p2 $0x0  }
0x1d: {  	s5 =	simm.s32 @p1 $0x1;
	p0 =	seq.s32 s7, s2  }
0x1e: {  	s7 =	smul.u32 @!p0 $0xF7A, s2;
	p2 =	seq.s32 @!p0 s5, $0x0  }
0x1f: {  	s9 =	smul.u32 $0xF7A, s1;
	s8 =	simm.s32 @!p0 $0x1BF5;
	p2 =	por !p2, p0  }
0x20: {  	[sflag:s8] =	ssyncset.s32 @!p0 $0xFFFFF086;
	s6 =	sadd.s32 @!p0 s3, s7;
	s7 =	simm.s32 @!p0 $0x108  }
0x21: {  	s3 =	sadd.s32 s3, s9;
	s6 =	sadd.s32 @!p0 $0x88, s6;
	s7 =	simm.s32 @p2 $0x1082  }
0x22: {  	[simem:s7], [sflag:s8] =	dma.local @!p0 [hbm:s6], $0xF7A  }
0x23: {  	s9 =	sor.u32 $0xD0000000, s2;
	s6 =	simm.s32 $0x108;
	_ =	swait.ge @!p0 [sflag:s8], $0x0  }
0x24: {  	s3 =	sadd.s32 $0x88, s3;
	s6 =	simm.s32 @!p1 $0x1082;
	[sflag:s4] =	ssyncset.s32 $0xFFFFF086  }
0x25: {  	[simem:s6], [sflag:s4] =	dma.local [hbm:s3], $0xF7A  }
0x26: {  	[smem:$0x3F9A] =	sst s1;
	(tag) =	ssettag s2;
	_ =	strace s9  }
0x27: {  	s1 =	sld [smem:$0x3FAA]  }
0x28: {  	s2 =	sld [smem:$0x3FAB]  }
0x29: {  	s4 =	sld [smem:$0x3FAD]  }
0x2a: {  	p0 =	seq.s32 s5, $0x0;
	s5 =	sld [smem:$0x3FAE]  }
0x2b: {  	s6 =	sld [smem:$0x3FAF]  }
0x2c: {  	s7 =	sld [smem:$0x3FB0]  }
0x2d: {  	s3 =	simm.s32 $0x108;
	s8 =	sld [smem:$0x3FB1]  }
0x2e: {  	s3 =	simm.s32 @!p0 $0x1082;
	s9 =	sld [smem:$0x3FB2]  }
0x2f: {  	lr =	sadd.s32 s0, s3;
	s0 =	sld [smem:$0x3FA9]  }
0x30: {  	s3 =	sld [smem:$0x3FAC]  }
0x31: {  	[smem:$0x3FB5] =	sst s10  }
0x32: {  	s10 =	sld [smem:$0x3FB3];
	_ =	sdelay $0x3  }
0x33: {  	p0 =	seq.s32 s10, $0x1;
	s10 =	sld [smem:$0x3FB5];
	_ =	sdelay $0x3  }
0x34: {  	[smem:$0x3FB5] =	sst s10  }
0x35: {  	s10 =	sld [smem:$0x3FB4];
	_ =	sdelay $0x3  }
0x36: {  	p1 =	seq.s32 s10, $0x1;
	s10 =	sld [smem:$0x3FB5];
	_ =	sdelay $0x3  }
0x37: {  	[smem:$0x3FB5] =	sst s10  }
0x38: {  	s10 =	sld [smem:$0x3FB6]  }
0x39: {  	_ = 	snop;
	(pc) =	sbr.ind lr, $3  }
0x3a: {  	_ = 	snop  }
0x3b: {  	_ = 	snop  }
0x3c: {  	p2 =	seq.s32 s10, $0x1;
	s10 =	sld [smem:$0x3FB5]  }
0x3d: {  	_ =	shalt  }
0x3e: {  	_ =	shalt  }
0x3f: {  	_ =	shalt  }
0x40: {  	_ =	shalt  }
0x41: {  	_ =	shalt  }
0x42: {  	_ =	shalt  }
0x43: {  	_ =	shalt  }
0x44: {  	_ =	shalt  }
0x45: {  	_ =	shalt  }
0x46: {  	_ =	shalt  }
0x47: {  	_ =	shalt  }
0x48: {  	_ =	shalt  }
0x49: {  	_ =	shalt  }
0x4a: {  	_ =	shalt  }
0x4b: {  	_ =	shalt  }
0x4c: {  	_ =	shalt  }
0x4d: {  	_ =	shalt  }
0x4e: {  	_ =	shalt  }
0x4f: {  	_ =	shalt  }
0x50: {  	_ =	shalt  }
0x51: {  	_ =	shalt  }
0x52: {  	_ =	shalt  }
0x53: {  	_ =	shalt  }
0x54: {  	_ =	shalt  }
0x55: {  	_ =	shalt  }
0x56: {  	_ =	shalt  }
0x57: {  	_ =	shalt  }
0x58: {  	_ =	shalt  }
0x59: {  	_ =	shalt  }
0x5a: {  	_ =	shalt  }
0x5b: {  	_ =	shalt  }
0x5c: {  	_ =	shalt  }
0x5d: {  	_ =	shalt  }
0x5e: {  	_ =	shalt  }
0x5f: {  	_ =	shalt  }
0x60: {  	_ =	shalt  }
0x61: {  	_ =	shalt  }
0x62: {  	_ =	shalt  }
0x63: {  	_ =	shalt  }
0x64: {  	_ =	shalt  }
0x65: {  	_ =	shalt  }
0x66: {  	_ =	shalt  }
0x67: {  	_ =	shalt  }
0x68: {  	_ =	shalt  }
0x69: {  	_ =	shalt  }
0x6a: {  	_ =	shalt  }
0x6b: {  	_ =	shalt  }
0x6c: {  	_ =	shalt  }
0x6d: {  	_ =	shalt  }
0x6e: {  	_ =	shalt  }
0x6f: {  	_ =	shalt  }
0x70: {  	_ =	shalt  }
0x71: {  	_ =	shalt  }
0x72: {  	_ =	shalt  }
0x73: {  	_ =	shalt  }
0x74: {  	_ =	shalt  }
0x75: {  	_ =	shalt  }
0x76: {  	_ =	shalt  }
0x77: {  	_ =	shalt  }
0x78: {  	_ =	shalt  }
0x79: {  	_ =	shalt  }
0x7a: {  	_ =	shalt  }
0x7b: {  	_ =	shalt  }
0x7c: {  	_ =	shalt  }
0x7d: {  	_ =	shalt  }
0x7e: {  	_ =	shalt  }
0x7f: {  	_ =	shalt  }
0x80: {  	_ =	shalt  }
0x81: {  	_ =	shalt  }
0x82: {  	_ =	shalt  }
0x83: {  	_ =	shalt  }
0x84: {  	_ =	shalt  }
0x85: {  	_ =	shalt  }
0x86: {  	_ =	shalt  }
0x87: {  	_ =	shalt  }
.Lfunc_end0:
.L_simem_size_0:
called_computation.1_lowered:
.L_overlay_start_0:
0x88: {  	s2 =	sld [smem:$0x3FD9]  }
0x89: {  	s3 =	sld [smem:$0x3FFE];
	_ =	sdelay $0x1  }
0x8a: {  	s1 =	srdreg.scid  }
0x8b: {  	s0 =	sand.u32 $0x1, s1  }
0x8c: {  	s17 =	sshll.u32 s0, $0xA;
	s2 =	sadd.s32 s3, s2  }
0x8d: {  	s2 =	sadd.s32 s2, s17  }
0x8e: {  	[smem:$0x3FC1] =	sst s2  }
0x8f: {  	_ = 	snop  }
0x90: {  	s2 =	sld [smem:$0x3FD0];
	(tm) =	ssettm $0x1  }
0x91: {  	s18 =	sld [smem:$0x3FFB];
	_ =	sdelay $0x3  }
0x92: {  	_ =	strace s18  }
0x93: {  	s3 =	sld [smem:$0x3FFC];
	_ =	sdelay $0x3  }
0x94: {  	_ =	strace s3  }
0x95: {  	s3 =	sld [smem:$0x3FFD];
	_ =	sdelay $0x3  }
0x96: {  	_ =	strace s3  }
0x97: {  	_ =	strace $0x8FFFFFFF  }
0x98: {  	s19 =	sld [smem:$0x3FDB];
	_ =	sdelay $0x1  }
0x99: {  	s4 =	simm.s32 $_scs_section_size  }
0x9a: {  	s5 =	simm.s32 $_size__tile_overlayer_lowered;
	s6 =	simm.s32 $_tile_overlayer_lowered  }
0x9b: {  	s22 =	simm.s32 $0x1BFF;
	s21 =	sshll.u32 s6, $0x1;
	s3 =	sadd.s32 s4, s19  }
0x9c: {  	s7 =	simm.s32 $0x0;
	s20 =	sshll.u32 s5, $0x1;
	s5 =	sadd.s32 s21, s3  }
0x9d: {  	[timem:s7], [sflag:s22] =	dma.local [hbm:s5], s20  }
0x9e: {  	_ =	swait.ge [sflag:s22], s20  }
0x9f: {  	s4 =	ssub.s32 $0x0, s20;
	[sflag:s22] =	ssyncset.done $0x0  }
0xa0: {  	[sflag:s22] =	ssyncadd.s32 s4;
	_ =	sdelay $0x1  }
0xa1: {  	s23 =	simm.s32 $0x1B8B  }
0xa2: {  	_ =	swait.ge [sflag:s23], $0x1  }
0xa3: {  	[sflag:s23] =	ssyncset.done $0x0  }
0xa4: {  	s25 =	simm.s32 $0x1B8E;
	s24 =	sld [smem:$0x3FFE];
	[sflag:s23] =	ssyncadd.s32 $0xFFFFFFFF  }
0xa5: {  	s26 =	simm.s32 $execute0_lowered;
	[smem:$0x3FD2] =	sst s25  }
0xa6: {  	s5 =	sshll.u32 s26, $0x1;
	_ =	strace $0x80000046;
	[dreg:$0x1] =	wrdreg $0xFFFFFFFF  }
0xa7: {  	s28 =	simm.s32 $_size_execute0_lowered;
	s3 =	sadd.s32 s3, s5;
	[dreg:$0x0] =	wrdreg $0x0  }
0xa8: {  	s5 =	sshll.u32 s28, $0x1;
	[dreg:$0x2] =	wrdreg s3  }
0xa9: {  	[dreg:$0x3] =	wrdreg s5  }
0xaa: {  	[dreg:$0x4] =	wrdreg $0xC0  }
0xab: {  	_ =	task [dreg:s7], $0x5FFFF  }
0xac: {  	[dreg:$0x1] =	wrdreg $0xFFFFFFFF  }
0xad: {  	[dreg:$0x0] =	wrdreg $0x60  }
0xae: {  	[dreg:$0x2] =	wrdreg s24  }
0xaf: {  	[dreg:$0x3] =	wrdreg s2  }
0xb0: {  	[dreg:$0x4] =	wrdreg $0x9  }
0xb1: {  	_ =	task.clear_ibuf [dreg:s7], $0x5FFFF;
	_ =	strace $0x90000046  }
0xb2: {  	s29 =	simm.s32 $0x9;
	_ =	strace $0x80000048  }
0xb3: {  	_ =	swait.ge [sflag:s29], $0x1  }
0xb4: {  	[sflag:s29] =	ssyncadd.s32 $0xFFFFFFFF  }
0xb5: {  	_ =	strace $0x90000048  }
0xb6: {  	_ =	sfence  }
0xb7: {  	s30 =	sld [smem:$0x0];
	_ =	sdelay $0x2  }
0xb8: {  	s31 =	sshll.u32 s1, $0xD;
	s1 =	sshrl.u32 s1, $0x2  }
0xb9: {  	s3 =	sand.u32 $0x4000, s31;
	s1 =	sadd.s32 s1, s30  }
0xba: {  	s0 =	sor.u32 s3, s0;
	s1 =	sshll.u32 s1, $0x11  }
0xbb: {  	s0 =	sor.u32 s1, s0  }
0xbc: {  	s0 =	sadd.s32 $0x8F2B, s0  }
0xbd: {  	[sflag:s0] =	ssyncadd.remote.s32 $0x1  }
0xbe: {  	_ =	sfence.sel $0xFFFF  }
0xbf: {  	[dreg:$0x0] =	wrdreg $0xFFFFFFFF;
	(pc) =	sbr.abs _section_cstart, $3  }
0xc0: {  	[dreg:$0x1] =	wrdreg $0xFFFFFFFF  }
0xc1: {  	_ =	task.clear_ibuf [dreg:s7], $0x2FFFF;
	_ =	strace $0x9FFFFFFF  }
0xc2: {  	(tm) =	ssettm $0x7FFFFFFF  }
0xc3: {  	_ =	shalt  }
tec
execute0_lowered:
.L_overlay_start_1:
0x0: {  	(tag) =	ssettag $0x1  }
0x1: {  	s0 =	rddreg [dreg:$0x0];
	s1 =	srdreg.scid  }
0x2: {  	s2 =	stileid.u32;
	s4 =	rddreg [dreg:$0x1]  }
0x3: {  	s13 =	simm.s32 $0x1;
	s28 =	simm.s32 $0xE800;
	s29 =	simm.s32 $0xEC00  }
0x4: {  	s30 =	simm.s32 $0xF400;
	s31 =	simm.s32 $0xF800;
	s9 =	simm.s32 $0x12800  }
0x5: {  	s10 =	simm.s32 $0x13000;
	s11 =	simm.s32 $0x2;
	s12 =	simm.s32 $0x6  }
0x6: {  	s1 =	sand.u32 $0x1, s1;
	s3 =	sshll.u32 s2, $0x1;
	s2 =	simm.s32 $0x0  }
0x7: {  	s8 =	sadd.s32 $0x4EC00, s0;
	s14 =	sadd.s32 $0xCB00, s0;
	s5 =	sor.u32 s1, s3  }
0x8: {  	[smem:$0x7FF] =	sst s2;
	s1 =	ssub.s32 $0x2, s1;
	s3 =	smul.u32 $0x580, s5  }
0x9: {  	_ =	strace $0x80000047;
	s7 =	smul.u32 $0xC1800, s5;
	[dreg:$0x3] =	wrdreg s8  }
0xa: {  	s16 =	sshrl.u32 s1, $0x1;
	s17 =	smul.u32 $0x18300, s5;
	s5 =	sshllo.u32 s5, $0x3  }
0xb: {  	s8 =	simm.s32 $0x12400;
	s1 =	ssub.s32 s1, s16;
	s21 =	smul.u32 $0x18300, s5  }
0xc: {  	s5 =	smul.u32 $0x3060, s5;
	s6 =	sadd.s32 s3, s0;
	s3 =	sadd.s32 $0xCA00, s0  }
0xd: {  	s7 =	sshrl.u32 s7, $0x3;
	s19 =	sadd.s32 s4, s17;
	s26 =	smax.u32 s1, $0x1  }
0xe: {  	s17 =	simm.s32 $0x5;
	s1 =	simm.s32 $0x10000;
	[dreg:$0x5] =	wrdreg s19  }
0xf: {  	s0 =	simm.s32 $0x10400;
	s6 =	sadd.s32 $0x1A00, s6;
	[dreg:$0xd] =	wrdreg s26  }
0x10: {  	s18 =	sadd.s32 s4, s7;
	s5 =	sadd.s32 s4, s5;
	[dreg:$0x4] =	wrdreg s6  }
0x11: {  	s7 =	sshrl.u32 s21, $0x3;
	s20 =	sadd.s32 $0x3060, s18;
	[dreg:$0xc] =	wrdreg s5  }
0x12: {  	s21 =	simm.s32 $0x2C00;
	s22 =	sadd.s32 $0x60C0, s18;
	[dreg:$0x6] =	wrdreg s20  }
0x13: {  	s26 =	simm.s32 $0xE000;
	s23 =	sadd.s32 $0x9120, s18;
	[dreg:$0x7] =	wrdreg s22  }
0x14: {  	s24 =	sadd.s32 $0xC180, s18;
	s25 =	sadd.s32 $0xF1E0, s18;
	[dreg:$0x8] =	wrdreg s23  }
0x15: {  	s6 =	sadd.s32 $0x12240, s18;
	s4 =	sadd.s32 s4, s7;
	[dreg:$0x9] =	wrdreg s24  }
0x16: {  	s5 =	simm.s32 $0x11000;
	s7 =	simm.s32 $0x11C00;
	[dreg:$0xa] =	wrdreg s25  }
0x17: {  	v2 =	vlaneseq.u32;
	[dreg:$0xb] =	wrdreg s6;
	s15 =	sadd.s32 $0x2A60, s4;
	s16 =	sadd.s32 $0x2D60, s4  }
0x18: {  	vm0 =	vmmov $0xffff;
	vm1 =	vmmov $0xff;
	v1 =	vshrl.u32 v2, $0x3;
	s23 =	simm.s32 $0xD000;
	s24 =	simm.s32 $0xD400;
	s25 =	simm.s32 $0xDC00  }
0x19: {  	v0 =	vand.u32 $0x7, v2;
	v2 =	vor.u32 $0x8, v2;
	v1 =	vmul.u32 $0x8, v1;
	s4 =	simm.s32 $0x10C00;
	s6 =	simm.s32 $0x11800;
	s20 =	simm.s32 $0x0  }
.LBB2_1:
0x1a: {  	[dreg:$0xe] =	wrdreg s20  }
0x1b: {  	s18 =	rddreg [dreg:$0x3];
	s19 =	simm.s32 $0x16400;
	s20 =	simm.s32 $0x7  }
0x1c: {  	[tilespmem:s19], [sflag:$0x7] =	stream.linear.gather [hbm4b:s18+s2], $0x300, $0x38;
	[tilespmem:$0x16700] =	vst v63  }
0x1d: {  	_ =	swait.ge [sflag:s20], $0x300  }
0x1e: {  	[sflag:s20] =	ssyncset.done $0x0  }
0x1f: {  	s22 =	rddreg [dreg:$0x4];
	[sflag:s20] =	ssyncadd.s32 $0xFFFFFD00  }
0x20: {  	[tilespmem:s2], [sflag:$0x7] =	stream.linear.gather [hbm4b:s22+s2], $0x2C00, $0x38;
	[tilespmem:$0x16700] =	vst v63  }
0x21: {  	_ =	swait.ge [sflag:s20], $0x2C00  }
0x22: {  	[sflag:s20] =	ssyncset.done $0x0  }
0x23: {  	s22 =	rddreg [dreg:$0x5];
	[sflag:s20] =	ssyncadd.s32 $0xFFFFD400  }
0x24: {  	[hbm4b:s22+s2] =	stream.linear.scatter [tilespmem:s19], [sflag:$0x7], $0x300, $0x38;
	[tilespmem:$0x16700] =	vst v63  }
0x25: {  	_ =	swait.ge [sflag:s20], $0x300  }
0x26: {  	[sflag:s20] =	ssyncset.done $0x0  }
0x27: {  	s22 =	rddreg [dreg:$0x6];
	[sflag:s20] =	ssyncadd.s32 $0xFFFFFD00  }
0x28: {  	[hbm4b:s22+s2] =	stream.linear.scatter [tilespmem:s19], [sflag:$0x7], $0x300, $0x38;
	[tilespmem:$0x16700] =	vst v63  }
0x29: {  	_ =	swait.ge [sflag:s20], $0x300  }
0x2a: {  	[sflag:s20] =	ssyncset.done $0x0  }
0x2b: {  	s22 =	rddreg [dreg:$0x7];
	[sflag:s20] =	ssyncadd.s32 $0xFFFFFD00  }
0x2c: {  	[hbm4b:s22+s2] =	stream.linear.scatter [tilespmem:s19], [sflag:$0x7], $0x300, $0x38;
	[tilespmem:$0x16700] =	vst v63  }
0x2d: {  	_ =	swait.ge [sflag:s20], $0x300  }
0x2e: {  	[sflag:s20] =	ssyncset.done $0x0  }
0x2f: {  	s22 =	rddreg [dreg:$0x8];
	[sflag:s20] =	ssyncadd.s32 $0xFFFFFD00  }
0x30: {  	[hbm4b:s22+s2] =	stream.linear.scatter [tilespmem:s19], [sflag:$0x7], $0x300, $0x38;
	[tilespmem:$0x16700] =	vst v63  }
0x31: {  	_ =	swait.ge [sflag:s20], $0x300  }
0x32: {  	[sflag:s20] =	ssyncset.done $0x0  }
0x33: {  	s22 =	rddreg [dreg:$0x9];
	[sflag:s20] =	ssyncadd.s32 $0xFFFFFD00  }
0x34: {  	[hbm4b:s22+s2] =	stream.linear.scatter [tilespmem:s19], [sflag:$0x7], $0x300, $0x38;
	[tilespmem:$0x16700] =	vst v63  }
0x35: {  	_ =	swait.ge [sflag:s20], $0x300  }
0x36: {  	[sflag:s20] =	ssyncset.done $0x0  }
0x37: {  	s22 =	rddreg [dreg:$0xa];
	[sflag:s20] =	ssyncadd.s32 $0xFFFFFD00  }
0x38: {  	[hbm4b:s22+s2] =	stream.linear.scatter [tilespmem:s19], [sflag:$0x7], $0x300, $0x38;
	[tilespmem:$0x16700] =	vst v63  }
0x39: {  	_ =	swait.ge [sflag:s20], $0x300  }
0x3a: {  	[sflag:s20] =	ssyncset.done $0x0  }
0x3b: {  	s22 =	rddreg [dreg:$0xb];
	[sflag:s20] =	ssyncadd.s32 $0xFFFFFD00  }
0x3c: {  	[hbm4b:s22+s2] =	stream.linear.scatter [tilespmem:s19], [sflag:$0x7], $0x300, $0x38;
	[tilespmem:$0x16700] =	vst v63  }
0x3d: {  	_ =	swait.ge [sflag:s20], $0x300  }
0x3e: {  	[sflag:s20] =	ssyncset.done $0x0  }
0x3f: {  	s22 =	rddreg [dreg:$0xc];
	[sflag:s20] =	ssyncadd.s32 $0xFFFFFD00  }
0x40: {  	[hbm4b:s22+s2] =	stream.linear.scatter [tilespmem:s19], [sflag:$0x7], $0x300, $0x38;
	[tilespmem:$0x16700] =	vst v63  }
0x41: {  	_ =	swait.ge [sflag:s20], $0x300  }
0x42: {  	[sflag:s20] =	ssyncset.done $0x0  }
0x43: {  	[sflag:s20] =	ssyncadd.s32 $0xFFFFFD00  }
0x44: {  	v3 =	vld [tilespmem:$0x0];
	_ =	sdelay $0x4  }
0x45: {  	v4 =	vshrl.u32 v3, $0x3  }
0x46: {  	v4 =	vmul.u32 $0x18, v4  }
0x47: {  	v3 =	vand.u32 $0x7, v3  }
0x48: {  	v3 =	vor.u32 v3, v4  }
0x49: {  	v4 =	vperm.xlane v3, v0;
	_ =	sdelay $0x1  }
0x4a: {  	v4 =	vadd.s32 v1, v4;
	_ =	sdelay $0x1  }
0x4b: {  	v3 =	vperm.xlane v3, v2;
	_ =	sdelay $0x1  }
0x4c: {  	v3 =	vadd.s32 v1, v3  }
0x4d: {  	[tilespmem:s21], [sflag:$0x1] =	stream.indirect_vreg.gather [hbm4b:s3+s2], $0x80, v4, vm0, $0xb8;
	[tilespmem:$0x16700] =	vst v63  }
0x4e: {  	s20 =	simm.s32 $0x3400  }
0x4f: {  	[tilespmem:s20], [sflag:$0x1] =	stream.indirect_vreg.gather [hbm4b:s14+s2], $0x80, v4, vm1, $0xb8;
	[tilespmem:$0x16700] =	vst v63  }
0x50: {  	s19 =	simm.s32 $0x3800  }
0x51: {  	[tilespmem:s19], [sflag:$0x1] =	stream.indirect_vreg.gather [hbm4b:s3+s2], $0x80, v3, vm0, $0xb8;
	[tilespmem:$0x16700] =	vst v63  }
0x52: {  	s22 =	simm.s32 $0x4000  }
0x53: {  	[tilespmem:s22], [sflag:$0x1] =	stream.indirect_vreg.gather [hbm4b:s14+s2], $0x80, v3, vm1, $0xb8;
	[tilespmem:$0x16700] =	vst v63  }
0x54: {  	v3 =	vld [tilespmem:$0x10];
	_ =	sdelay $0x4  }
0x55: {  	v59 =	vshrl.u32 v3, $0x3  }
0x56: {  	v4 =	vmul.u32 $0x18, v59  }
0x57: {  	v3 =	vand.u32 $0x7, v3  }
0x58: {  	v3 =	vor.u32 v3, v4  }
0x59: {  	v4 =	vperm.xlane v3, v0;
	_ =	sdelay $0x1  }
0x5a: {  	v4 =	vadd.s32 v1, v4;
	_ =	sdelay $0x1  }
0x5b: {  	v3 =	vperm.xlane v3, v2;
	_ =	sdelay $0x1  }
0x5c: {  	s19 =	simm.s32 $0x4400;
	v3 =	vadd.s32 v1, v3  }
0x5d: {  	[tilespmem:s19], [sflag:$0x1] =	stream.indirect_vreg.gather [hbm4b:s3+s2], $0x80, v4, vm0, $0xb8;
	[tilespmem:$0x16700] =	vst v63  }
0x5e: {  	s22 =	simm.s32 $0x4C00  }
0x5f: {  	[tilespmem:s22], [sflag:$0x1] =	stream.indirect_vreg.gather [hbm4b:s14+s2], $0x80, v4, vm1, $0xb8;
	[tilespmem:$0x16700] =	vst v63  }
0x60: {  	s19 =	simm.s32 $0x5000  }
0x61: {  	[tilespmem:s19], [sflag:$0x1] =	stream.indirect_vreg.gather [hbm4b:s3+s2], $0x80, v3, vm0, $0xb8;
	[tilespmem:$0x16700] =	vst v63  }
0x62: {  	s22 =	simm.s32 $0x5800  }
0x63: {  	[tilespmem:s22], [sflag:$0x1] =	stream.indirect_vreg.gather [hbm4b:s14+s2], $0x80, v3, vm1, $0xb8;
	[tilespmem:$0x16700] =	vst v63  }
0x64: {  	v3 =	vld [tilespmem:$0x20];
	_ =	sdelay $0x4  }
0x65: {  	v60 =	vshrl.u32 v3, $0x3  }
0x66: {  	v4 =	vmul.u32 $0x18, v60  }
0x67: {  	v3 =	vand.u32 $0x7, v3  }
0x68: {  	v3 =	vor.u32 v3, v4  }
0x69: {  	v4 =	vperm.xlane v3, v0;
	_ =	sdelay $0x1  }
0x6a: {  	v4 =	vadd.s32 v1, v4;
	_ =	sdelay $0x1  }
0x6b: {  	v3 =	vperm.xlane v3, v2;
	_ =	sdelay $0x1  }
0x6c: {  	s19 =	simm.s32 $0x5C00;
	v3 =	vadd.s32 v1, v3  }
0x6d: {  	[tilespmem:s19], [sflag:$0x1] =	stream.indirect_vreg.gather [hbm4b:s3+s2], $0x80, v4, vm0, $0xb8;
	[tilespmem:$0x16700] =	vst v63  }
0x6e: {  	s22 =	simm.s32 $0x6400  }
0x6f: {  	[tilespmem:s22], [sflag:$0x1] =	stream.indirect_vreg.gather [hbm4b:s14+s2], $0x80, v4, vm1, $0xb8;
	[tilespmem:$0x16700] =	vst v63  }
0x70: {  	s19 =	simm.s32 $0x6800  }
0x71: {  	[tilespmem:s19], [sflag:$0x1] =	stream.indirect_vreg.gather [hbm4b:s3+s2], $0x80, v3, vm0, $0xb8;
	[tilespmem:$0x16700] =	vst v63  }
0x72: {  	s22 =	simm.s32 $0x7000  }
0x73: {  	[tilespmem:s22], [sflag:$0x1] =	stream.indirect_vreg.gather [hbm4b:s14+s2], $0x80, v3, vm1, $0xb8;
	[tilespmem:$0x16700] =	vst v63  }
0x74: {  	v3 =	vld [tilespmem:$0x30];
	_ =	sdelay $0x4  }
0x75: {  	v61 =	vshrl.u32 v3, $0x3  }
0x76: {  	v4 =	vmul.u32 $0x18, v61  }
0x77: {  	v3 =	vand.u32 $0x7, v3  }
0x78: {  	v3 =	vor.u32 v3, v4  }
0x79: {  	v4 =	vperm.xlane v3, v0;
	_ =	sdelay $0x1  }
0x7a: {  	v4 =	vadd.s32 v1, v4;
	_ =	sdelay $0x1  }
0x7b: {  	v3 =	vperm.xlane v3, v2;
	_ =	sdelay $0x1  }
0x7c: {  	s19 =	simm.s32 $0x7400;
	v3 =	vadd.s32 v1, v3  }
0x7d: {  	[tilespmem:s19], [sflag:$0x5] =	stream.indirect_vreg.gather [hbm4b:s3+s2], $0x80, v4, vm0, $0xb8;
	[tilespmem:$0x16700] =	vst v63  }
0x7e: {  	s22 =	simm.s32 $0x7C00  }
0x7f: {  	[tilespmem:s22], [sflag:$0x5] =	stream.indirect_vreg.gather [hbm4b:s14+s2], $0x80, v4, vm1, $0xb8;
	[tilespmem:$0x16700] =	vst v63  }
0x80: {  	s19 =	simm.s32 $0x8000  }
0x81: {  	[tilespmem:s19], [sflag:$0x5] =	stream.indirect_vreg.gather [hbm4b:s3+s2], $0x80, v3, vm0, $0xb8;
	[tilespmem:$0x16700] =	vst v63  }
0x82: {  	s22 =	simm.s32 $0x8800  }
0x83: {  	[tilespmem:s22], [sflag:$0x5] =	stream.indirect_vreg.gather [hbm4b:s14+s2], $0x80, v3, vm1, $0xb8;
	[tilespmem:$0x16700] =	vst v63  }
0x84: {  	v3 =	vld [tilespmem:$0x40];
	_ =	sdelay $0x4  }
0x85: {  	v62 =	vshrl.u32 v3, $0x3  }
0x86: {  	v4 =	vmul.u32 $0x18, v62  }
0x87: {  	v3 =	vand.u32 $0x7, v3  }
0x88: {  	v3 =	vor.u32 v3, v4  }
0x89: {  	v4 =	vperm.xlane v3, v0;
	_ =	sdelay $0x1  }
0x8a: {  	v4 =	vadd.s32 v1, v4;
	_ =	sdelay $0x1  }
0x8b: {  	v3 =	vperm.xlane v3, v2;
	_ =	sdelay $0x1  }
0x8c: {  	s19 =	simm.s32 $0x8C00;
	v3 =	vadd.s32 v1, v3  }
0x8d: {  	[tilespmem:s19], [sflag:$0x5] =	stream.indirect_vreg.gather [hbm4b:s3+s2], $0x80, v4, vm0, $0xb8;
	[tilespmem:$0x16700] =	vst v63  }
0x8e: {  	s22 =	simm.s32 $0x9400  }
0x8f: {  	[tilespmem:s22], [sflag:$0x5] =	stream.indirect_vreg.gather [hbm4b:s14+s2], $0x80, v4, vm1, $0xb8;
	[tilespmem:$0x16700] =	vst v63  }
0x90: {  	s19 =	simm.s32 $0x9800  }
0x91: {  	[tilespmem:s19], [sflag:$0x5] =	stream.indirect_vreg.gather [hbm4b:s3+s2], $0x80, v3, vm0, $0xb8;
	[tilespmem:$0x16700] =	vst v63  }
0x92: {  	s22 =	simm.s32 $0xA000  }
0x93: {  	[tilespmem:s22], [sflag:$0x5] =	stream.indirect_vreg.gather [hbm4b:s14+s2], $0x80, v3, vm1, $0xb8;
	[tilespmem:$0x16700] =	vst v63  }
0x94: {  	v3 =	vld.msk [tilespmem:$0x50], $0xff;
	_ =	sdelay $0x4  }
0x95: {  	v63 =	vshrl.u32 v3, $0x3  }
0x96: {  	v4 =	vmul.u32 $0x18, v63  }
0x97: {  	v3 =	vand.u32 $0x7, v3  }
0x98: {  	v3 =	vor.u32 v3, v4  }
0x99: {  	v3 =	vperm.xlane v3, v0;
	_ =	sdelay $0x1  }
0x9a: {  	v3 =	vadd.s32 v1, v3;
	_ =	sdelay $0x3  }
0x9b: {  	s19 =	simm.s32 $0xA400  }
0x9c: {  	[tilespmem:s19], [sflag:$0x5] =	stream.indirect_vreg.gather [hbm4b:s3+s2], $0x80, v3, vm0, $0xb8;
	[tilespmem:$0x16700] =	vst v63  }
0x9d: {  	s22 =	simm.s32 $0xAC00  }
0x9e: {  	[tilespmem:s22], [sflag:$0x5] =	stream.indirect_vreg.gather [hbm4b:s14+s2], $0x80, v3, vm1, $0xb8;
	[tilespmem:$0x16700] =	vst v63  }
0x9f: {  	_ =	swait.ge [sflag:s13], $0x4800  }
0xa0: {  	[sflag:s13] =	ssyncset.done $0x0  }
0xa1: {  	[sflag:s13] =	ssyncadd.s32 $0xFFFFB800  }
0xa2: {  	_ =	swait.ge [sflag:s17], $0x3C00  }
0xa3: {  	[sflag:s17] =	ssyncset.done $0x0  }
0xa4: {  	s18 =	simm.s32 $0x0;
	[sflag:s17] =	ssyncadd.s32 $0xFFFFC400  }
.LBB2_2:
0xa5: {  	s19 =	sshra.s32 s18, $0x2  }
0xa6: {  	v3 =	vld [tilespmem:s19+$0x58];
	_ =	sdelay $0x4  }
0xa7: {  	v4 =	vshrl.u32 v3, $0x3  }
0xa8: {  	v4 =	vmul.u32 $0x18, v4  }
0xa9: {  	v3 =	vand.u32 $0x7, v3  }
0xaa: {  	v3 =	vor.u32 v3, v4  }
0xab: {  	v4 =	vperm.xlane v3, v0;
	_ =	sdelay $0x1  }
0xac: {  	v4 =	vadd.s32 v1, v4;
	_ =	sdelay $0x1  }
0xad: {  	v3 =	vperm.xlane v3, v2;
	_ =	sdelay $0x1  }
0xae: {  	s22 =	simm.s32 $0xB000;
	v3 =	vadd.s32 v1, v3  }
0xaf: {  	[tilespmem:s22], [sflag:$0x2] =	stream.indirect_vreg.gather [hbm4b:s3+s2], $0x80, v4, vm0, $0xb8;
	[tilespmem:$0x16700] =	vst v63  }
0xb0: {  	s22 =	simm.s32 $0xB800  }
0xb1: {  	[tilespmem:s22], [sflag:$0x2] =	stream.indirect_vreg.gather [hbm4b:s14+s2], $0x80, v4, vm1, $0xb8;
	[tilespmem:$0x16700] =	vst v63  }
0xb2: {  	s22 =	simm.s32 $0xBC00  }
0xb3: {  	[tilespmem:s22], [sflag:$0x2] =	stream.indirect_vreg.gather [hbm4b:s3+s2], $0x80, v3, vm0, $0xb8;
	[tilespmem:$0x16700] =	vst v63  }
0xb4: {  	s22 =	simm.s32 $0xC400  }
0xb5: {  	[tilespmem:s22], [sflag:$0x2] =	stream.indirect_vreg.gather [hbm4b:s14+s2], $0x80, v3, vm1, $0xb8;
	[tilespmem:$0x16700] =	vst v63  }
0xb6: {  	v3 =	vld [tilespmem:s19+$0x68];
	_ =	sdelay $0x4  }
0xb7: {  	v59 =	vshrl.u32 v3, $0x3  }
0xb8: {  	v4 =	vmul.u32 $0x18, v59  }
0xb9: {  	v3 =	vand.u32 $0x7, v3  }
0xba: {  	v3 =	vor.u32 v3, v4  }
0xbb: {  	v4 =	vperm.xlane v3, v0;
	_ =	sdelay $0x1  }
0xbc: {  	v4 =	vadd.s32 v1, v4;
	_ =	sdelay $0x1  }
0xbd: {  	v3 =	vperm.xlane v3, v2;
	_ =	sdelay $0x1  }
0xbe: {  	s22 =	simm.s32 $0xC800;
	v3 =	vadd.s32 v1, v3  }
0xbf: {  	[tilespmem:s22], [sflag:$0x2] =	stream.indirect_vreg.gather [hbm4b:s3+s2], $0x80, v4, vm0, $0xb8;
	[tilespmem:$0x16700] =	vst v63  }
0xc0: {  	_ = 	snop  }
0xc1: {  	[tilespmem:s23], [sflag:$0x2] =	stream.indirect_vreg.gather [hbm4b:s14+s2], $0x80, v4, vm1, $0xb8;
	[tilespmem:$0x16700] =	vst v63  }
0xc2: {  	_ = 	snop  }
0xc3: {  	[tilespmem:s24], [sflag:$0x2] =	stream.indirect_vreg.gather [hbm4b:s3+s2], $0x80, v3, vm0, $0xb8;
	[tilespmem:$0x16700] =	vst v63  }
0xc4: {  	_ = 	snop  }
0xc5: {  	[tilespmem:s25], [sflag:$0x2] =	stream.indirect_vreg.gather [hbm4b:s14+s2], $0x80, v3, vm1, $0xb8;
	[tilespmem:$0x16700] =	vst v63  }
0xc6: {  	v3 =	vld [tilespmem:s19+$0x78];
	_ =	sdelay $0x4  }
0xc7: {  	v60 =	vshrl.u32 v3, $0x3  }
0xc8: {  	v4 =	vmul.u32 $0x18, v60  }
0xc9: {  	v3 =	vand.u32 $0x7, v3  }
0xca: {  	v3 =	vor.u32 v3, v4  }
0xcb: {  	v4 =	vperm.xlane v3, v0;
	_ =	sdelay $0x1  }
0xcc: {  	v4 =	vadd.s32 v1, v4;
	_ =	sdelay $0x1  }
0xcd: {  	v3 =	vperm.xlane v3, v2;
	_ =	sdelay $0x1  }
0xce: {  	v3 =	vadd.s32 v1, v3  }
0xcf: {  	[tilespmem:s26], [sflag:$0x2] =	stream.indirect_vreg.gather [hbm4b:s3+s2], $0x80, v4, vm0, $0xb8;
	[tilespmem:$0x16700] =	vst v63  }
0xd0: {  	_ = 	snop  }
0xd1: {  	[tilespmem:s28], [sflag:$0x2] =	stream.indirect_vreg.gather [hbm4b:s14+s2], $0x80, v4, vm1, $0xb8;
	[tilespmem:$0x16700] =	vst v63  }
0xd2: {  	_ = 	snop  }
0xd3: {  	[tilespmem:s29], [sflag:$0x2] =	stream.indirect_vreg.gather [hbm4b:s3+s2], $0x80, v3, vm0, $0xb8;
	[tilespmem:$0x16700] =	vst v63  }
0xd4: {  	_ = 	snop  }
0xd5: {  	[tilespmem:s30], [sflag:$0x2] =	stream.indirect_vreg.gather [hbm4b:s14+s2], $0x80, v3, vm1, $0xb8;
	[tilespmem:$0x16700] =	vst v63  }
0xd6: {  	v3 =	vld [tilespmem:s19+$0x88];
	_ =	sdelay $0x4  }
0xd7: {  	v61 =	vshrl.u32 v3, $0x3  }
0xd8: {  	v4 =	vmul.u32 $0x18, v61  }
0xd9: {  	v3 =	vand.u32 $0x7, v3  }
0xda: {  	v3 =	vor.u32 v3, v4  }
0xdb: {  	v4 =	vperm.xlane v3, v0;
	_ =	sdelay $0x1  }
0xdc: {  	v4 =	vadd.s32 v1, v4;
	_ =	sdelay $0x1  }
0xdd: {  	v3 =	vperm.xlane v3, v2;
	_ =	sdelay $0x1  }
0xde: {  	v3 =	vadd.s32 v1, v3  }
0xdf: {  	[tilespmem:s31], [sflag:$0x6] =	stream.indirect_vreg.gather [hbm4b:s3+s2], $0x80, v4, vm0, $0xb8;
	[tilespmem:$0x16700] =	vst v63  }
0xe0: {  	_ = 	snop  }
0xe1: {  	[tilespmem:s1], [sflag:$0x6] =	stream.indirect_vreg.gather [hbm4b:s14+s2], $0x80, v4, vm1, $0xb8;
	[tilespmem:$0x16700] =	vst v63  }
0xe2: {  	_ = 	snop  }
0xe3: {  	[tilespmem:s0], [sflag:$0x6] =	stream.indirect_vreg.gather [hbm4b:s3+s2], $0x80, v3, vm0, $0xb8;
	[tilespmem:$0x16700] =	vst v63  }
0xe4: {  	_ = 	snop  }
0xe5: {  	[tilespmem:s4], [sflag:$0x6] =	stream.indirect_vreg.gather [hbm4b:s14+s2], $0x80, v3, vm1, $0xb8;
	[tilespmem:$0x16700] =	vst v63  }
0xe6: {  	v3 =	vld [tilespmem:s19+$0x98];
	_ =	sdelay $0x4  }
0xe7: {  	v62 =	vshrl.u32 v3, $0x3  }
0xe8: {  	v4 =	vmul.u32 $0x18, v62  }
0xe9: {  	v3 =	vand.u32 $0x7, v3  }
0xea: {  	v3 =	vor.u32 v3, v4  }
0xeb: {  	v4 =	vperm.xlane v3, v0;
	_ =	sdelay $0x1  }
0xec: {  	v4 =	vadd.s32 v1, v4;
	_ =	sdelay $0x1  }
0xed: {  	v3 =	vperm.xlane v3, v2;
	_ =	sdelay $0x1  }
0xee: {  	v3 =	vadd.s32 v1, v3  }
0xef: {  	[tilespmem:s5], [sflag:$0x6] =	stream.indirect_vreg.gather [hbm4b:s3+s2], $0x80, v4, vm0, $0xb8;
	[tilespmem:$0x16700] =	vst v63  }
0xf0: {  	_ = 	snop  }
0xf1: {  	[tilespmem:s6], [sflag:$0x6] =	stream.indirect_vreg.gather [hbm4b:s14+s2], $0x80, v4, vm1, $0xb8;
	[tilespmem:$0x16700] =	vst v63  }
0xf2: {  	_ = 	snop  }
0xf3: {  	[tilespmem:s7], [sflag:$0x6] =	stream.indirect_vreg.gather [hbm4b:s3+s2], $0x80, v3, vm0, $0xb8;
	[tilespmem:$0x16700] =	vst v63  }
0xf4: {  	_ = 	snop  }
0xf5: {  	[tilespmem:s8], [sflag:$0x6] =	stream.indirect_vreg.gather [hbm4b:s14+s2], $0x80, v3, vm1, $0xb8;
	[tilespmem:$0x16700] =	vst v63  }
0xf6: {  	v3 =	vld.msk [tilespmem:s19+$0xA8], $0xff;
	_ =	sdelay $0x4  }
0xf7: {  	v63 =	vshrl.u32 v3, $0x3  }
0xf8: {  	v4 =	vmul.u32 $0x18, v63  }
0xf9: {  	v3 =	vand.u32 $0x7, v3  }
0xfa: {  	v3 =	vor.u32 v3, v4  }
0xfb: {  	v3 =	vperm.xlane v3, v0;
	_ =	sdelay $0x1  }
0xfc: {  	v3 =	vadd.s32 v1, v3;
	_ =	sdelay $0x1  }
0xfd: {  	p0 =	seq.s32 s18, $0xAD40  }
.Ltmp0:
0xfe: {  	_ = 	snop;
	(pc) =	sbr.rel @p0 .LBB2_4-.Ltmp0, $4  }
0xff: {  	_ = 	snop  }
0x100: {  	[tilespmem:s9], [sflag:$0x6] =	stream.indirect_vreg.gather [hbm4b:s3+s2], $0x80, v3, vm0, $0xb8;
	[tilespmem:$0x16700] =	vst v63  }
0x101: {  	_ = 	snop  }
0x102: {  	[tilespmem:s10], [sflag:$0x6] =	stream.indirect_vreg.gather [hbm4b:s14+s2], $0x80, v3, vm1, $0xb8;
	[tilespmem:$0x16700] =	vst v63  }
0x103: {  	v3 =	vld [tilespmem:s19+$0xB0];
	_ =	sdelay $0x4  }
0x104: {  	v4 =	vshrl.u32 v3, $0x3  }
0x105: {  	v4 =	vmul.u32 $0x18, v4  }
0x106: {  	v3 =	vand.u32 $0x7, v3  }
0x107: {  	v3 =	vor.u32 v3, v4  }
0x108: {  	v4 =	vperm.xlane v3, v0;
	_ =	sdelay $0x1  }
0x109: {  	v4 =	vadd.s32 v1, v4;
	_ =	sdelay $0x1  }
0x10a: {  	v3 =	vperm.xlane v3, v2;
	_ =	sdelay $0x1  }
0x10b: {  	v3 =	vadd.s32 v1, v3  }
0x10c: {  	[tilespmem:s21], [sflag:$0x1] =	stream.indirect_vreg.gather [hbm4b:s3+s2], $0x80, v4, vm0, $0xb8;
	[tilespmem:$0x16700] =	vst v63  }
0x10d: {  	_ = 	snop  }
0x10e: {  	[tilespmem:s20], [sflag:$0x1] =	stream.indirect_vreg.gather [hbm4b:s14+s2], $0x80, v4, vm1, $0xb8;
	[tilespmem:$0x16700] =	vst v63  }
0x10f: {  	s22 =	simm.s32 $0x3800  }
0x110: {  	[tilespmem:s22], [sflag:$0x1] =	stream.indirect_vreg.gather [hbm4b:s3+s2], $0x80, v3, vm0, $0xb8;
	[tilespmem:$0x16700] =	vst v63  }
0x111: {  	s22 =	simm.s32 $0x4000  }
0x112: {  	[tilespmem:s22], [sflag:$0x1] =	stream.indirect_vreg.gather [hbm4b:s14+s2], $0x80, v3, vm1, $0xb8;
	[tilespmem:$0x16700] =	vst v63  }
0x113: {  	v3 =	vld [tilespmem:s19+$0xC0];
	_ =	sdelay $0x4  }
0x114: {  	v59 =	vshrl.u32 v3, $0x3  }
0x115: {  	v4 =	vmul.u32 $0x18, v59  }
0x116: {  	v3 =	vand.u32 $0x7, v3  }
0x117: {  	v3 =	vor.u32 v3, v4  }
0x118: {  	v4 =	vperm.xlane v3, v0;
	_ =	sdelay $0x1  }
0x119: {  	v4 =	vadd.s32 v1, v4;
	_ =	sdelay $0x1  }
0x11a: {  	v3 =	vperm.xlane v3, v2;
	_ =	sdelay $0x1  }
0x11b: {  	s22 =	simm.s32 $0x4400;
	v3 =	vadd.s32 v1, v3  }
0x11c: {  	[tilespmem:s22], [sflag:$0x1] =	stream.indirect_vreg.gather [hbm4b:s3+s2], $0x80, v4, vm0, $0xb8;
	[tilespmem:$0x16700] =	vst v63  }
0x11d: {  	s22 =	simm.s32 $0x4C00  }
0x11e: {  	[tilespmem:s22], [sflag:$0x1] =	stream.indirect_vreg.gather [hbm4b:s14+s2], $0x80, v4, vm1, $0xb8;
	[tilespmem:$0x16700] =	vst v63  }
0x11f: {  	s22 =	simm.s32 $0x5000  }
0x120: {  	[tilespmem:s22], [sflag:$0x1] =	stream.indirect_vreg.gather [hbm4b:s3+s2], $0x80, v3, vm0, $0xb8;
	[tilespmem:$0x16700] =	vst v63  }
0x121: {  	s22 =	simm.s32 $0x5800  }
0x122: {  	[tilespmem:s22], [sflag:$0x1] =	stream.indirect_vreg.gather [hbm4b:s14+s2], $0x80, v3, vm1, $0xb8;
	[tilespmem:$0x16700] =	vst v63  }
0x123: {  	v3 =	vld [tilespmem:s19+$0xD0];
	_ =	sdelay $0x4  }
0x124: {  	v60 =	vshrl.u32 v3, $0x3  }
0x125: {  	v4 =	vmul.u32 $0x18, v60  }
0x126: {  	v3 =	vand.u32 $0x7, v3  }
0x127: {  	v3 =	vor.u32 v3, v4  }
0x128: {  	v4 =	vperm.xlane v3, v0;
	_ =	sdelay $0x1  }
0x129: {  	v4 =	vadd.s32 v1, v4;
	_ =	sdelay $0x1  }
0x12a: {  	v3 =	vperm.xlane v3, v2;
	_ =	sdelay $0x1  }
0x12b: {  	s22 =	simm.s32 $0x5C00;
	v3 =	vadd.s32 v1, v3  }
0x12c: {  	[tilespmem:s22], [sflag:$0x1] =	stream.indirect_vreg.gather [hbm4b:s3+s2], $0x80, v4, vm0, $0xb8;
	[tilespmem:$0x16700] =	vst v63  }
0x12d: {  	s22 =	simm.s32 $0x6400  }
0x12e: {  	[tilespmem:s22], [sflag:$0x1] =	stream.indirect_vreg.gather [hbm4b:s14+s2], $0x80, v4, vm1, $0xb8;
	[tilespmem:$0x16700] =	vst v63  }
0x12f: {  	s22 =	simm.s32 $0x6800  }
0x130: {  	[tilespmem:s22], [sflag:$0x1] =	stream.indirect_vreg.gather [hbm4b:s3+s2], $0x80, v3, vm0, $0xb8;
	[tilespmem:$0x16700] =	vst v63  }
0x131: {  	s22 =	simm.s32 $0x7000  }
0x132: {  	[tilespmem:s22], [sflag:$0x1] =	stream.indirect_vreg.gather [hbm4b:s14+s2], $0x80, v3, vm1, $0xb8;
	[tilespmem:$0x16700] =	vst v63  }
0x133: {  	v3 =	vld [tilespmem:s19+$0xE0];
	_ =	sdelay $0x4  }
0x134: {  	v61 =	vshrl.u32 v3, $0x3  }
0x135: {  	v4 =	vmul.u32 $0x18, v61  }
0x136: {  	v3 =	vand.u32 $0x7, v3  }
0x137: {  	v3 =	vor.u32 v3, v4  }
0x138: {  	v4 =	vperm.xlane v3, v0;
	_ =	sdelay $0x1  }
0x139: {  	v4 =	vadd.s32 v1, v4;
	_ =	sdelay $0x1  }
0x13a: {  	v3 =	vperm.xlane v3, v2;
	_ =	sdelay $0x1  }
0x13b: {  	s22 =	simm.s32 $0x7400;
	v3 =	vadd.s32 v1, v3  }
0x13c: {  	[tilespmem:s22], [sflag:$0x5] =	stream.indirect_vreg.gather [hbm4b:s3+s2], $0x80, v4, vm0, $0xb8;
	[tilespmem:$0x16700] =	vst v63  }
0x13d: {  	s22 =	simm.s32 $0x7C00  }
0x13e: {  	[tilespmem:s22], [sflag:$0x5] =	stream.indirect_vreg.gather [hbm4b:s14+s2], $0x80, v4, vm1, $0xb8;
	[tilespmem:$0x16700] =	vst v63  }
0x13f: {  	s22 =	simm.s32 $0x8000  }
0x140: {  	[tilespmem:s22], [sflag:$0x5] =	stream.indirect_vreg.gather [hbm4b:s3+s2], $0x80, v3, vm0, $0xb8;
	[tilespmem:$0x16700] =	vst v63  }
0x141: {  	s22 =	simm.s32 $0x8800  }
0x142: {  	[tilespmem:s22], [sflag:$0x5] =	stream.indirect_vreg.gather [hbm4b:s14+s2], $0x80, v3, vm1, $0xb8;
	[tilespmem:$0x16700] =	vst v63  }
0x143: {  	v3 =	vld [tilespmem:s19+$0xF0];
	_ =	sdelay $0x4  }
0x144: {  	v62 =	vshrl.u32 v3, $0x3  }
0x145: {  	v4 =	vmul.u32 $0x18, v62  }
0x146: {  	v3 =	vand.u32 $0x7, v3  }
0x147: {  	v3 =	vor.u32 v3, v4  }
0x148: {  	v4 =	vperm.xlane v3, v0;
	_ =	sdelay $0x1  }
0x149: {  	v4 =	vadd.s32 v1, v4;
	_ =	sdelay $0x1  }
0x14a: {  	v3 =	vperm.xlane v3, v2;
	_ =	sdelay $0x1  }
0x14b: {  	s22 =	simm.s32 $0x8C00;
	v3 =	vadd.s32 v1, v3  }
0x14c: {  	[tilespmem:s22], [sflag:$0x5] =	stream.indirect_vreg.gather [hbm4b:s3+s2], $0x80, v4, vm0, $0xb8;
	[tilespmem:$0x16700] =	vst v63  }
0x14d: {  	s22 =	simm.s32 $0x9400  }
0x14e: {  	[tilespmem:s22], [sflag:$0x5] =	stream.indirect_vreg.gather [hbm4b:s14+s2], $0x80, v4, vm1, $0xb8;
	[tilespmem:$0x16700] =	vst v63  }
0x14f: {  	s22 =	simm.s32 $0x9800  }
0x150: {  	[tilespmem:s22], [sflag:$0x5] =	stream.indirect_vreg.gather [hbm4b:s3+s2], $0x80, v3, vm0, $0xb8;
	[tilespmem:$0x16700] =	vst v63  }
0x151: {  	s22 =	simm.s32 $0xA000  }
0x152: {  	[tilespmem:s22], [sflag:$0x5] =	stream.indirect_vreg.gather [hbm4b:s14+s2], $0x80, v3, vm1, $0xb8;
	[tilespmem:$0x16700] =	vst v63  }
0x153: {  	v3 =	vld.msk [tilespmem:s19+$0x100], $0xff;
	_ =	sdelay $0x4  }
0x154: {  	v63 =	vshrl.u32 v3, $0x3  }
0x155: {  	v4 =	vmul.u32 $0x18, v63  }
0x156: {  	v3 =	vand.u32 $0x7, v3  }
0x157: {  	v3 =	vor.u32 v3, v4  }
0x158: {  	v3 =	vperm.xlane v3, v0;
	_ =	sdelay $0x1  }
0x159: {  	v3 =	vadd.s32 v1, v3;
	_ =	sdelay $0x3  }
0x15a: {  	s22 =	simm.s32 $0xA400  }
0x15b: {  	[tilespmem:s22], [sflag:$0x5] =	stream.indirect_vreg.gather [hbm4b:s3+s2], $0x80, v3, vm0, $0xb8;
	[tilespmem:$0x16700] =	vst v63  }
0x15c: {  	s22 =	simm.s32 $0xAC00  }
0x15d: {  	[tilespmem:s22], [sflag:$0x5] =	stream.indirect_vreg.gather [hbm4b:s14+s2], $0x80, v3, vm1, $0xb8;
	[tilespmem:$0x16700] =	vst v63  }
0x15e: {  	_ =	swait.ge [sflag:s11], $0x4800  }
0x15f: {  	[sflag:s11] =	ssyncset.done $0x0  }
0x160: {  	[sflag:s11] =	ssyncadd.s32 $0xFFFFB800  }
0x161: {  	_ =	swait.ge [sflag:s12], $0x3C00  }
0x162: {  	[sflag:s12] =	ssyncset.done $0x0  }
0x163: {  	[sflag:s12] =	ssyncadd.s32 $0xFFFFC400  }
0x164: {  	_ =	swait.ge [sflag:s13], $0x4800  }
.Ltmp1:
0x165: {  	[sflag:s13] =	ssyncset.done $0x0;
	(pc) =	sbr.rel .LBB2_2-.Ltmp1, $4  }
0x166: {  	[sflag:s13] =	ssyncadd.s32 $0xFFFFB800  }
0x167: {  	_ =	swait.ge [sflag:s17], $0x3C00  }
0x168: {  	[sflag:s17] =	ssyncset.done $0x0  }
0x169: {  	s18 =	sadd.s32 $0x2C0, s18;
	[sflag:s17] =	ssyncadd.s32 $0xFFFFC400  }
.LBB2_4:
0x16a: {  	_ =	swait.ge [sflag:s11], $0x4800  }
0x16b: {  	[sflag:s11] =	ssyncset.done $0x0  }
0x16c: {  	[sflag:s11] =	ssyncadd.s32 $0xFFFFB800  }
0x16d: {  	_ =	swait.ge [sflag:s12], $0x3C00  }
0x16e: {  	s18 =	simm.s32 $0x13400;
	s19 =	simm.s32 $0x10;
	[sflag:s12] =	ssyncset.done $0x0  }
0x16f: {  	s21 =	sadd.s32 $0x0, s15;
	s20 =	simm.s32 $0x13500;
	[sflag:s12] =	ssyncadd.s32 $0xFFFFC400  }
.LBB2_5:
0x170: {  	[hbm4b:s21+s2] =	stream.linear.scatter [tilespmem:s18], [sflag:$0x3], $0x80, $0x38;
	[tilespmem:$0x16700] =	vst v63  }
0x171: {  	s21 =	smov.u32 s19;
	s18 =	smov.u32 s20;
	p0 =	sne.s32 s19, $0x2F0  }
.Ltmp2:
0x172: {  	s19 =	sadd.s32 $0x10, s19;
	(pc) =	sbr.rel @p0 .LBB2_5-.Ltmp2, $2  }
0x173: {  	_ =	sdelay $0x2  }
0x174: {  	s20 =	sadd.s32 $0x100, s20;
	s21 =	sadd.s32 s21, s15  }
0x175: {  	[hbm4b:s21+s2] =	stream.linear.scatter [tilespmem:s18], [sflag:$0x3], $0x80, $0x38;
	[tilespmem:$0x16700] =	vst v63  }
0x176: {  	s22 =	simm.s32 $0x3  }
0x177: {  	_ =	swait.ge [sflag:s22], $0x1800  }
0x178: {  	s18 =	simm.s32 $0x13480;
	s19 =	simm.s32 $0x10;
	[sflag:s22] =	ssyncset.done $0x0  }
0x179: {  	s21 =	sadd.s32 $0x0, s16;
	s20 =	simm.s32 $0x13580;
	[sflag:s22] =	ssyncadd.s32 $0xFFFFE800  }
.LBB2_7:
0x17a: {  	[hbm4b:s21+s2] =	stream.linear.scatter [tilespmem:s18], [sflag:$0x4], $0x80, $0x38;
	[tilespmem:$0x16700] =	vst v63  }
0x17b: {  	s21 =	smov.u32 s19;
	s18 =	smov.u32 s20;
	p0 =	sne.s32 s19, $0x2F0  }
.Ltmp3:
0x17c: {  	s19 =	sadd.s32 $0x10, s19;
	(pc) =	sbr.rel @p0 .LBB2_7-.Ltmp3, $2  }
0x17d: {  	_ =	sdelay $0x2  }
0x17e: {  	s20 =	sadd.s32 $0x100, s20;
	s21 =	sadd.s32 s21, s16  }
0x17f: {  	[hbm4b:s21+s2] =	stream.linear.scatter [tilespmem:s18], [sflag:$0x4], $0x80, $0x38;
	[tilespmem:$0x16700] =	vst v63  }
0x180: {  	s19 =	simm.s32 $0x4  }
0x181: {  	_ =	swait.ge [sflag:s19], $0x1800  }
0x182: {  	s20 =	rddreg [dreg:$0xe]  }
0x183: {  	s22 =	rddreg [dreg:$0xd];
	s20 =	sadd.s32 $0x1, s20  }
0x184: {  	p0 =	sne.s32 s20, s22  }
.Ltmp4:
0x185: {  	_ = 	snop;
	(pc) =	sbr.rel @p0 .LBB2_1-.Ltmp4, $3  }
0x186: {  	_ =	sdelay $0x1  }
0x187: {  	[sflag:s19] =	ssyncset.done $0x0  }
0x188: {  	s21 =	simm.s32 $0x2C00;
	[sflag:s19] =	ssyncadd.s32 $0xFFFFE800  }
0x189: {  	_ =	sfence.sel $0x180000  }
0x18a: {  	[bflag:$0x0] =	sbarrier.arrive $0xFFFF  }
0x18b: {  	_ =	strace $0x90000047  }
0x18c: {  	s0 =	stileid.u32;
	[bflag:$0x2] =	sbarrier.arrive $0xFFFF  }
0x18d: {  	p0 =	sne.s32 s0, $0x0;
	s0 =	rddreg [dreg:$0x2]  }
0x18e: {  	s0 =	sadd.s32 @!p0 $0x100000, s0  }
0x18f: {  	[sflag:s0] =	ssyncadd.tile.s32 @!p0 $0x1;
	_ =	shalt  }
.Lfunc_end2:
_tile_overlayer_lowered:
.L_overlay_start_2:
0x190: {  	(tag) =	ssettag $0x2  }
0x191: {  	s0 =	rddreg [dreg:$0x0];
	s2 =	stileid.u32  }
0x192: {  	s1 =	rddreg [dreg:$0x1];
	p0 =	sne.s32 s2, $0x0  }
0x193: {  	s3 =	rddreg [dreg:$0x2];
	[bflag:$0x3] =	sbarrier.arrive $0xFFFF;
	s2 =	simm.s32 @!p0 $0x1C07  }
0x194: {  	[timem:s3], [sflag:s2] =	dma.local @!p0 [hbm:s0], s1  }
0x195: {  	s0 =	simm.s32 @!p0 $0x7  }
0x196: {  	_ =	swait.ge @!p0 [sflag:s0], s1  }
0x197: {  	s1 =	ssub.s32 @!p0 $0x0, s1;
	[sflag:s0] =	ssyncset.done @!p0 $0x0  }
0x198: {  	[sflag:s0] =	ssyncadd.s32 @!p0 s1  }
0x199: {  	[bflag:$0x3] =	sbarrier.arrive $0xFFFF  }
0x19a: {  	_ =	shalt  }

// kernel: sparse-core-data-format-call.cloned.1.call-start
scs
called_computation_lowered:
.L_overlay_start_0:
0x0: {  	s2 =	sld [smem:$0x3FD9]  }
0x1: {  	s3 =	sld [smem:$0x3FFE];
	_ =	sdelay $0x1  }
0x2: {  	s1 =	srdreg.scid  }
0x3: {  	s0 =	sand.u32 $0x1, s1  }
0x4: {  	s18 =	sshll.u32 s0, $0xA;
	s2 =	sadd.s32 s3, s2  }
0x5: {  	s2 =	sadd.s32 s2, s18  }
0x6: {  	[smem:$0x3FC1] =	sst s2  }
0x7: {  	_ = 	snop  }
0x8: {  	s2 =	sld [smem:$0x3FD0];
	(tm) =	ssettm $0x1  }
0x9: {  	s19 =	sld [smem:$0x3FFB];
	_ =	sdelay $0x3  }
0xa: {  	_ =	strace s19  }
0xb: {  	s3 =	sld [smem:$0x3FFC];
	_ =	sdelay $0x3  }
0xc: {  	_ =	strace s3  }
0xd: {  	s3 =	sld [smem:$0x3FFD];
	_ =	sdelay $0x3  }
0xe: {  	_ =	strace s3  }
0xf: {  	_ =	strace $0x8FFFFFFF  }
0x10: {  	s20 =	sld [smem:$0x3FDB];
	_ =	sdelay $0x1  }
0x11: {  	s4 =	simm.s32 $_scs_section_size  }
0x12: {  	s5 =	simm.s32 $_size__tile_overlayer_lowered;
	s6 =	simm.s32 $_tile_overlayer_lowered  }
0x13: {  	s23 =	simm.s32 $0x1BFF;
	s22 =	sshll.u32 s6, $0x1;
	s3 =	sadd.s32 s4, s20  }
0x14: {  	s7 =	simm.s32 $0x0;
	s21 =	sshll.u32 s5, $0x1;
	s5 =	sadd.s32 s22, s3  }
0x15: {  	[timem:s7], [sflag:s23] =	dma.local [hbm:s5], s21  }
0x16: {  	_ =	swait.ge [sflag:s23], s21  }
0x17: {  	s4 =	ssub.s32 $0x0, s21;
	[sflag:s23] =	ssyncset.done $0x0  }
0x18: {  	[sflag:s23] =	ssyncadd.s32 s4;
	_ =	sdelay $0x1  }
0x19: {  	s24 =	simm.s32 $0x1B8B  }
0x1a: {  	_ =	swait.ge [sflag:s24], $0x1  }
0x1b: {  	[sflag:s24] =	ssyncset.done $0x0  }
0x1c: {  	s26 =	simm.s32 $0x1B8E;
	s25 =	sld [smem:$0x3FFE];
	[sflag:s24] =	ssyncadd.s32 $0xFFFFFFFF  }
0x1d: {  	s27 =	simm.s32 $execute0_lowered;
	[smem:$0x3FD2] =	sst s26  }
0x1e: {  	s5 =	sshll.u32 s27, $0x1;
	_ =	strace $0x80000049;
	[dreg:$0x1] =	wrdreg $0xFFFFFFFF  }
0x1f: {  	s28 =	simm.s32 $_size_execute0_lowered;
	s3 =	sadd.s32 s3, s5;
	[dreg:$0x0] =	wrdreg $0x0  }
0x20: {  	s5 =	sshll.u32 s28, $0x1;
	[dreg:$0x2] =	wrdreg s3  }
0x21: {  	[dreg:$0x3] =	wrdreg s5  }
0x22: {  	[dreg:$0x4] =	wrdreg $0xC0  }
0x23: {  	_ =	task [dreg:s7], $0x5FFFF  }
0x24: {  	[dreg:$0x1] =	wrdreg $0xFFFFFFFF  }
0x25: {  	[dreg:$0x0] =	wrdreg $0x60  }
0x26: {  	[dreg:$0x2] =	wrdreg s25  }
0x27: {  	[dreg:$0x3] =	wrdreg s2  }
0x28: {  	[dreg:$0x4] =	wrdreg $0x9  }
0x29: {  	_ =	task.clear_ibuf [dreg:s7], $0x5FFFF;
	_ =	strace $0x90000049  }
0x2a: {  	s29 =	simm.s32 $0x9;
	_ =	strace $0x8000004B  }
0x2b: {  	_ =	swait.ge [sflag:s29], $0x1  }
0x2c: {  	[sflag:s29] =	ssyncadd.s32 $0xFFFFFFFF  }
0x2d: {  	_ =	strace $0x9000004B  }
0x2e: {  	_ =	sfence  }
0x2f: {  	s30 =	sld [smem:$0x0];
	_ =	sdelay $0x2  }
0x30: {  	s31 =	sshll.u32 s1, $0xD;
	s1 =	sshrl.u32 s1, $0x2  }
0x31: {  	s3 =	sand.u32 $0x4000, s31;
	s1 =	sadd.s32 s1, s30  }
0x32: {  	s0 =	sor.u32 s3, s0;
	s1 =	sshll.u32 s1, $0x11  }
0x33: {  	s0 =	sor.u32 s1, s0  }
0x34: {  	s0 =	sadd.s32 $0x8F2B, s0  }
0x35: {  	[sflag:s0] =	ssyncadd.remote.s32 $0x1  }
0x36: {  	_ =	sfence.sel $0xFFFF  }
0x37: {  	[dreg:$0x0] =	wrdreg $0xFFFFFFFF;
	(pc) =	sbr.abs _section_cstart, $3  }
0x38: {  	[dreg:$0x1] =	wrdreg $0xFFFFFFFF  }
0x39: {  	_ =	task.clear_ibuf [dreg:s7], $0x2FFFF;
	_ =	strace $0x9FFFFFFF  }
0x3a: {  	(tm) =	ssettm $0x7FFFFFFF  }
0x3b: {  	_ =	shalt  }
tec
execute0_lowered:
.L_overlay_start_1:
0x0: {  	(tag) =	ssettag $0x1  }
0x1: {  	s0 =	stileid.u32;
	s1 =	srdreg.scid  }
0x2: {  	s1 =	sshll.u32 s1, $0x4;
	s2 =	sshll.u32 s0, $0x7  }
0x3: {  	s7 =	rddreg [dreg:$0x0];
	s3 =	sand.u32 $0x10, s1;
	s1 =	sand.u32 $0x80, s2  }
0x4: {  	s8 =	simm.s32 $0x2;
	s30 =	sor.u32 s0, s3;
	s4 =	ssub.s32 $0x100, s1  }
0x5: {  	s16 =	simm.s32 $0x0;
	s3 =	sshrl.u32 s30, $0x1;
	s31 =	sshrl.u32 s4, $0x7  }
0x6: {  	s4 =	sshrl.u32 s4, $0x8;
	s2 =	sand.u32 $0x1, s31;
	s5 =	ssub.s32 $0x90, s3  }
0x7: {  	s9 =	simm.s32 $0x1800;
	s2 =	sadd.s32 s4, s2;
	s5 =	sshrl.u32 s5, $0x4  }
0x8: {  	s10 =	simm.s32 $0x0;
	s15 =	simm.s32 $0x0;
	s6 =	smul.u32 s5, s2  }
.Ltmp0:
0x9: {  	s17 =	simm.s32 $0x0;
	s4 =	rddreg [dreg:$0x1];
	(pc) =	sbr.rel .LBB1_1-.Ltmp0, $4  }
0xa: {  	s11 =	simm.s32 $0x0;
	s14 =	simm.s32 $0x0;
	s2 =	rddreg [dreg:$0x2]  }
0xb: {  	_ =	strace $0x8000004A;
	s5 =	simm.s32 $0x1;
	s6 =	smul.u32 $0x6, s6  }
0xc: {  	s7 =	sadd.s32 $0x1A00, s7;
	s13 =	smov.u32 s1;
	[sflag:s5] =	ssyncpa.u1 $0x0  }
0xd: {  	s12 =	smov.u32 s3;
	[sflag:s8] =	ssyncpa.u1 $0x0;
	s8 =	sor.u32 $0x1, s6  }
.LBB1_4:
0xe: {  	_ =	sdelay $0x2  }
0xf: {  	s21 =	sshrl.u32 s17, $0x3  }
0x10: {  	[tilespmem:v0+s20+$0xFFFFFFD0 ss:$0x1] =	vst.idx.msk $0xffff, v7;
	s22 =	sshll.u32 s16, $0x3;
	s21 =	smul.u32 $0x1800, s21  }
0x11: {  	v56 =	vld.idx.msk [tilespmem:v1+s19+$0x0 ss:$0x1], $0xffff;
	[tilespmem:v0+s20+$0xFFFFFFE0 ss:$0x1] =	vst.idx.msk $0xffff, v5;
	s27 =	sshll.u32 s17, $0x7;
	s22 =	sand.u32 $0xFFFFFC00, s22  }
0x12: {  	v57 =	vld.idx.msk [tilespmem:v1+s19+$0xFFFFFF90 ss:$0x1], $0xffff;
	[tilespmem:v0+s20+$0xFFFFFFF0 ss:$0x1] =	vst.idx.msk $0xffff, v4;
	s17 =	sand.u32 $0x380, s27;
	s21 =	sadd.s32 s21, s22  }
0x13: {  	v58 =	vld.idx.msk [tilespmem:v1+s19+$0xFFFFFFA0 ss:$0x1], $0xffff;
	[tilespmem:v0+s20+$0x0 ss:$0x1] =	vst.idx.msk $0xffff, v2;
	s28 =	sand.u32 $0x7F, s16;
	s17 =	sor.u32 s17, s21  }
0x14: {  	v59 =	vld.idx.msk [tilespmem:v1+s19+$0xFFFFFFB0 ss:$0x1], $0xffff;
	[tilespmem:v0+s20+$0x10 ss:$0x1] =	vst.idx.msk $0xffff, v3;
	s16 =	sor.u32 s28, s17  }
0x15: {  	v60 =	vld.idx.msk [tilespmem:v1+s19+$0xFFFFFFC0 ss:$0x1], $0xffff;
	[tilespmem:v0+s20+$0x20 ss:$0x1] =	vst.idx.msk $0xffff, v6;
	s29 =	smulhi.u32 $0xAAAAAAAB, s16  }
0x16: {  	v61 =	vld.idx.msk [tilespmem:v1+s19+$0xFFFFFFD0 ss:$0x1], $0xffff;
	[tilespmem:v0+s19+$0x30 ss:$0x1] =	vst.idx.msk $0xffff, v56;
	s17 =	smulhi.u32 $0xAAAAAAAB, s17  }
0x17: {  	v62 =	vld.idx.msk [tilespmem:v1+s19+$0xFFFFFFE0 ss:$0x1], $0xffff;
	[tilespmem:v0+s19+$0xFFFFFFC0 ss:$0x1] =	vst.idx.msk $0xffff, v57;
	s20 =	sshrl.u32 s29, $0x9  }
0x18: {  	v63 =	vld.idx.msk [tilespmem:v1+s19+$0xFFFFFFF0 ss:$0x1], $0xffff;
	[tilespmem:v0+s19+$0xFFFFFFD0 ss:$0x1] =	vst.idx.msk $0xffff, v58;
	s17 =	sshrl.u32 s17, $0x9;
	s20 =	smul.u32 $0x300, s20  }
0x19: {  	s15 =	smul.u32 $0x6000, s15;
	[tilespmem:v0+s19+$0xFFFFFFE0 ss:$0x1] =	vst.idx.msk $0xffff, v59;
	s17 =	sand.u32 $0xFF, s17  }
0x1a: {  	[tilespmem:v0+s19+$0xFFFFFFF0 ss:$0x1] =	vst.idx.msk $0xffff, v60;
	s17 =	smul.u32 $0x60, s17;
	s16 =	ssub.s32 s16, s20  }
0x1b: {  	s15 =	sadd.s32 s4, s15;
	[tilespmem:v0+s19+$0x0 ss:$0x1] =	vst.idx.msk $0xffff, v61;
	s20 =	sand.u32 $0x7, s16  }
0x1c: {  	[tilespmem:v0+s19+$0x10 ss:$0x1] =	vst.idx.msk $0xffff, v62;
	s15 =	sadd.s32 s17, s15;
	s16 =	sshrl.u32 s16, $0x3;
	s30 =	sshll.u32 s20, $0x12  }
0x1d: {  	[tilespmem:v0+s19+$0x20 ss:$0x1] =	vst.idx.msk $0xffff, v63;
	s15 =	sadd.s32 s16, s15;
	s31 =	sor.u32 $0x400, s30  }
0x1e: {  	[hbm4b:s15+s31] =	stream.strided.scatter [tilespmem:s18], [sflag:$0x2], $0x4000, s9, s31, $0x38;
	[tilespmem:$0x10000] =	vst v63  }
.LBB1_5:
0x1f: {  	s18 =	sadd.s32 $0x80, s11  }
0x20: {  	s15 =	sadd.s32 $0x10, s12;
	s19 =	smov.u32 s12;
	p1 =	sgt.s32 s18, $0x2FF  }
0x21: {  	s19 =	smov.u32 @p1 s15  }
0x22: {  	s21 =	smov.u32 s13;
	s15 =	sadd.s32 $0x100, s13;
	p2 =	sgt.s32 s19, $0x80  }
0x23: {  	s21 =	smov.u32 @p2 s15  }
0x24: {  	s18 =	simm.s32 @p1 $0x0;
	p1 =	sgt.s32 s21, $0xFF  }
0x25: {  	p0 =	slt.u32 s14, $0x2;
	s21 =	smov.u32 @p1 s1;
	p1 =	sne.s32 s14, s8  }
.Ltmp1:
0x26: {  	s20 =	simm.s32 @!p0 $0x2;
	(pc) =	sbr.rel @!p1 .LBB1_6-.Ltmp1, $4  }
0x27: {  	s16 =	smov.u32 s11;
	s17 =	smov.u32 s13;
	_ =	swait.ge @!p0 [sflag:s20], $0x4000  }
0x28: {  	s10 =	sadd.s32 $0x4000, s10;
	[sflag:s20] =	ssyncset.done @!p0 $0x0;
	s11 =	smov.u32 s18  }
0x29: {  	s19 =	smov.u32 @p2 s3;
	s15 =	smov.u32 s12;
	[sflag:s20] =	ssyncadd.s32 @!p0 $0xFFFFC000  }
0x2a: {  	s12 =	smov.u32 s19;
	s14 =	sadd.s32 $0x1, s14;
	s13 =	smov.u32 s21  }
.LBB1_1:
0x2b: {  	p0 =	sge.u32 s14, s6  }
0x2c: {  	s18 =	sshrl.u32 @!p0 s12, $0x3  }
0x2d: {  	s19 =	sshll.u32 @!p0 s11, $0x3;
	s18 =	smul.u32 @!p0 $0x1800, s18  }
0x2e: {  	s20 =	sshll.u32 @!p0 s12, $0x7;
	s19 =	sand.u32 @!p0 $0xFFFFFC00, s19  }
0x2f: {  	s18 =	sadd.s32 @!p0 s18, s19;
	s19 =	sand.u32 @!p0 $0x380, s20  }
0x30: {  	s18 =	sor.u32 @!p0 s19, s18  }
0x31: {  	s19 =	sand.u32 @!p0 $0x7F, s11;
	s20 =	smulhi.u32 @!p0 $0xAAAAAAAB, s18  }
0x32: {  	s18 =	sor.u32 @!p0 s19, s18  }
0x33: {  	s19 =	smulhi.u32 @!p0 $0xAAAAAAAB, s18;
	s20 =	sshrl.u32 @!p0 s20, $0x9  }
0x34: {  	s21 =	smulhi.u32 @!p0 $0x1E1E1E2, s20;
	_ =	sdelay $0x1  }
0x35: {  	s19 =	sshrl.u32 @!p0 s19, $0x9;
	s21 =	smul.u32 @!p0 $0x88, s21  }
0x36: {  	s31 =	sadd.s32 $0xFFFFFFFF, s14;
	s19 =	smul.u32 @!p0 $0x300, s19  }
0x37: {  	s22 =	sxor.u32 @!p0 $0xFFFFFFFF, s14;
	s20 =	ssub.s32 @!p0 s20, s21;
	s21 =	smul.u32 @!p0 $0x3300, s13  }
0x38: {  	s22 =	sshll.u32 @!p0 s22, $0xE;
	s18 =	ssub.s32 @!p0 s18, s19;
	s19 =	smul.u32 @!p0 $0x60, s20  }
0x39: {  	s20 =	sand.u32 @!p0 $0x4000, s22;
	s22 =	sand.u32 @!p0 $0x7, s18;
	s21 =	sadd.s32 @!p0 s7, s21  }
0x3a: {  	s18 =	sshrl.u32 @!p0 s18, $0x3;
	s19 =	sadd.s32 @!p0 s19, s21;
	s21 =	sshll.u32 @!p0 s22, $0x12  }
0x3b: {  	s18 =	sadd.s32 @!p0 s18, s19;
	s19 =	sor.u32 @!p0 $0x80, s21;
	s21 =	simm.s32 @!p0 $0x19800  }
0x3c: {  	[tilespmem:s20], [sflag:$0x1] =	stream.strided.gather @!p0 [hbm4b:s18+s19], $0x4000, s21, s19, $0x38;
	[tilespmem:$0x10000] =	vst v63  }
0x3d: {  	p0 =	sge.u32 s31, s6  }
.Ltmp2:
0x3e: {  	_ = 	snop;
	(pc) =	sbr.rel @p0 .LBB1_5-.Ltmp2, $1  }
0x3f: {  	_ =	sdelay $0x3  }
0x40: {  	s18 =	sand.u32 $0x4000, s10  }
0x41: {  	s19 =	sor.u32 $0x70, s18  }
0x42: {  	v1 =	vmov s19;
	_ =	sdelay $0x1  }
0x43: {  	_ =	swait.ge [sflag:s5], $0x4000  }
0x44: {  	[sflag:s5] =	ssyncset.done $0x0  }
0x45: {  	s20 =	simm.s32 $0x0;
	[sflag:s5] =	ssyncadd.s32 $0xFFFFC000  }
0x46: {  	s18 =	sor.u32 $0x8040, s18;
	v6 =	vld.idx.msk [tilespmem:v1+s20+$0x0 ss:$0x1], $0xffff  }
0x47: {  	v0 =	vmov s18;
	v8 =	vld.idx.msk [tilespmem:v1+s20+$0xFFFFFF90 ss:$0x1], $0xffff  }
0x48: {  	v7 =	vld.idx.msk [tilespmem:v1+s20+$0xFFFFFFA0 ss:$0x1], $0xffff  }
0x49: {  	v5 =	vld.idx.msk [tilespmem:v1+s20+$0xFFFFFFB0 ss:$0x1], $0xffff  }
0x4a: {  	v4 =	vld.idx.msk [tilespmem:v1+s20+$0xFFFFFFC0 ss:$0x1], $0xffff  }
0x4b: {  	s31 =	sshll.u32 s14, $0xE;
	v2 =	vld.idx.msk [tilespmem:v1+s20+$0xFFFFFFD0 ss:$0x1], $0xffff  }
0x4c: {  	s18 =	sand.u32 $0x4000, s31;
	v3 =	vld.idx.msk [tilespmem:v1+s20+$0xFFFFFFE0 ss:$0x1], $0xffff;
	[tilespmem:v0+s20+$0x30 ss:$0x1] =	vst.idx.msk $0xffff, v6  }
0x4d: {  	s21 =	simm.s32 $0x400;
	s19 =	simm.s32 $0x80;
	s18 =	sor.u32 $0x8000, s18;
	[tilespmem:v0+s20+$0xFFFFFFC0 ss:$0x1] =	vst.idx.msk $0xffff, v8;
	v6 =	vld.idx.msk [tilespmem:v1+s20+$0xFFFFFFF0 ss:$0x1], $0xffff  }
.LBB1_3:
0x4e: {  	p0 =	sne.s32 s21, $0xFE00;
	v8 =	vld.idx.msk [tilespmem:v1+s19+$0x0 ss:$0x1], $0xffff;
	[tilespmem:v0+s20+$0xFFFFFFD0 ss:$0x1] =	vst.idx.msk $0xffff, v7  }
0x4f: {  	v9 =	vld.idx.msk [tilespmem:v1+s19+$0xFFFFFF90 ss:$0x1], $0xffff;
	[tilespmem:v0+s20+$0xFFFFFFE0 ss:$0x1] =	vst.idx.msk $0xffff, v5  }
0x50: {  	v7 =	vld.idx.msk [tilespmem:v1+s19+$0xFFFFFFA0 ss:$0x1], $0xffff;
	[tilespmem:v0+s20+$0xFFFFFFF0 ss:$0x1] =	vst.idx.msk $0xffff, v4  }
.Ltmp3:
0x51: {  	v5 =	vld.idx.msk [tilespmem:v1+s19+$0xFFFFFFB0 ss:$0x1], $0xffff;
	[tilespmem:v0+s20+$0x0 ss:$0x1] =	vst.idx.msk $0xffff, v2;
	(pc) =	sbr.rel @p0 .LBB1_3-.Ltmp3, $4  }
0x52: {  	v4 =	vld.idx.msk [tilespmem:v1+s19+$0xFFFFFFC0 ss:$0x1], $0xffff;
	[tilespmem:v0+s20+$0x10 ss:$0x1] =	vst.idx.msk $0xffff, v3  }
0x53: {  	v2 =	vld.idx.msk [tilespmem:v1+s19+$0xFFFFFFD0 ss:$0x1], $0xffff;
	[tilespmem:v0+s20+$0x20 ss:$0x1] =	vst.idx.msk $0xffff, v6;
	s20 =	smov.u32 s19  }
0x54: {  	v3 =	vld.idx.msk [tilespmem:v1+s20+$0xFFFFFFE0 ss:$0x1], $0xffff;
	[tilespmem:v0+s20+$0x30 ss:$0x1] =	vst.idx.msk $0xffff, v8  }
0x55: {  	s19 =	sshra.s32 s21, $0x2;
	s21 =	sadd.s32 $0x200, s21;
	[tilespmem:v0+s20+$0xFFFFFFC0 ss:$0x1] =	vst.idx.msk $0xffff, v9;
	v6 =	vld.idx.msk [tilespmem:v1+s20+$0xFFFFFFF0 ss:$0x1], $0xffff  }
.Ltmp4:
0x56: {  	_ = 	snop;
	(pc) =	sbr.rel .LBB1_4-.Ltmp4, $1  }
0x57: {  	_ =	sdelay $0x3  }
.LBB1_6:
0x58: {  	_ =	sfence.sel $0x180000  }
0x59: {  	s1 =	simm.s32 $0x1;
	[bflag:$0x0] =	sbarrier.arrive $0xFFFF  }
0x5a: {  	s31 =	simm.s32 $0x2;
	[sflag:s1] =	ssyncpa.u1 $0x1  }
0x5b: {  	[sflag:s31] =	ssyncpa.u1 $0x1  }
0x5c: {  	p0 =	sne.s32 s0, $0x0;
	_ =	strace $0x9000004A  }
0x5d: {  	s0 =	sadd.s32 @!p0 $0x100000, s2;
	[bflag:$0x2] =	sbarrier.arrive $0xFFFF  }
0x5e: {  	[sflag:s0] =	ssyncadd.tile.s32 @!p0 $0x1;
	_ =	shalt  }
.Lfunc_end1:
_tile_overlayer_lowered:
.L_overlay_start_2:
0x5f: {  	(tag) =	ssettag $0x2  }
0x60: {  	s0 =	rddreg [dreg:$0x0];
	s2 =	stileid.u32  }
0x61: {  	s1 =	rddreg [dreg:$0x1];
	p0 =	sne.s32 s2, $0x0  }
0x62: {  	s3 =	rddreg [dreg:$0x2];
	[bflag:$0x3] =	sbarrier.arrive $0xFFFF;
	s2 =	simm.s32 @!p0 $0x1C01  }
0x63: {  	[timem:s3], [sflag:s2] =	dma.local @!p0 [hbm:s0], s1  }
0x64: {  	s0 =	simm.s32 @!p0 $0x1  }
0x65: {  	_ =	swait.ge @!p0 [sflag:s0], s1  }
0x66: {  	s1 =	ssub.s32 @!p0 $0x0, s1;
	[sflag:s0] =	ssyncset.done @!p0 $0x0  }
0x67: {  	[sflag:s0] =	ssyncadd.s32 @!p0 s1  }
0x68: {  	[bflag:$0x3] =	sbarrier.arrive $0xFFFF  }
0x69: {  	_ =	shalt  }

</sc_bundles>
